<compile_context>
chip_gen: v7x
topology: tpu7x:2x2x1
jax: 0.10.2.dev20260603
libtpu: 0.0.44.dev20260713+nightly
codegen_flags: <defaults>
</compile_context>

<pallas_src>
import functools

import jax
import jax.numpy as jnp
from jax import lax
from jax.experimental import pallas as pl
from jax.experimental.pallas import tpu as pltpu
from jax.experimental.pallas import tpu_sc as plsc

_N_ACTIONS = 1000
_BATCH = 16384
_NW = 32
_RPW = _BATCH // _NW
_NBLK = _BATCH // 8
_BPW = _NBLK // _NW
_CB = 2
_NCH = _BPW // _CB
_L = 16

_mesh = plsc.VectorSubcoreMesh(core_axis_name="c", subcore_axis_name="s")


@functools.partial(
    pl.kernel,
    out_type=jax.ShapeDtypeStruct((_BATCH,), jnp.float32),
    mesh=_mesh,
    scratch_types=[
        pltpu.VMEM((_RPW,), jnp.int32),
        *[pltpu.VMEM((_CB, 8, _N_ACTIONS), jnp.float32) for _ in range(4)],
        pltpu.VMEM((_RPW,), jnp.float32),
        *[pltpu.SemaphoreType.DMA for _ in range(4)],
    ],
    compiler_params=pltpu.CompilerParams(needs_layout_passes=False),
)
def _gather_kernel(mat_hbm, idx_hbm, out_hbm,
                   idx_v, buf_a, buf_b, buf_c, buf_d, out_v,
                   sem_a, sem_b, sem_c, sem_d):
    wid = lax.axis_index("s") * 2 + lax.axis_index("c")
    base = wid * _RPW
    blk0 = wid * _BPW

    pltpu.sync_copy(idx_hbm.at[pl.ds(base, _RPW)], idx_v)

    bufs = (buf_a, buf_b, buf_c, buf_d)
    sems = (sem_a, sem_b, sem_c, sem_d)
    copies = [None, None, None, None]
    rpc = _CB * 8

    def start(c):
        b = c % 4
        copies[b] = pltpu.async_copy(
            mat_hbm.at[pl.ds(blk0 + c * _CB, _CB)], bufs[b], sems[b])

    def extract(c):
        b = c % 4
        copies[b].wait()
        buf = bufs[b]
        for s in range(rpc // _L):
            off = c * rpc + s * _L
            cols = idx_v[pl.ds(off, _L)]
            local = s * _L + lax.iota(jnp.int32, _L)
            b16 = lax.shift_right_logical(local, 3)
            r16 = local & 7
            out_v[pl.ds(off, _L)] = plsc.load_gather(buf, [b16, r16, cols])

    for c in range(3):
        start(c)
    for c in range(_NCH):
        if c + 3 < _NCH:
            start(c + 3)
        extract(c)

    pltpu.sync_copy(out_v, out_hbm.at[pl.ds(base, _RPW)])


def kernel(full_output, indices):
    mat = full_output.reshape(_NBLK, 8, _N_ACTIONS)
    idx = indices.astype(jnp.int32)
    return _gather_kernel(mat, idx)

# --- scband reference (transcript-rebuilt; emitter-appended) ---
"""Pipeline reference for scband-gather-layer-30013231464886 (READ-ONLY COPY).

The authoritative reference and input builder live on the scoring server;
editing this copy changes nothing except your own understanding.
"""

import jax, jax.numpy as jnp
import numpy as np

N_ACTIONS = 1000

def setup_inputs(seed: int = 0) -> dict:
    key = jax.random.key(seed)
    k1, k2 = jax.random.split(key)
    full_output = jax.random.normal(k1, (16384, N_ACTIONS), dtype=jnp.float32)
    indices = jax.random.randint(k2, (16384,), 0, N_ACTIONS, dtype=jnp.int64)
    return {"full_output": full_output, "indices": indices}

def reference(full_output, indices):
    # Faithful translation of GatherLayer.gather_layer:
    # idx_flat = reshape(indices, [-1]); one_hot; multiply; reduce_sum axis=1
    idx_flat = jnp.reshape(indices, (-1,))
    idx_onehot = jax.nn.one_hot(idx_flat, N_ACTIONS, dtype=full_output.dtype)
    out = jnp.multiply(idx_onehot, full_output)
    out = jnp.sum(out, axis=1)
    return out

if __name__ == "__main__":
    import jax
    _d = setup_inputs()
    print(jax.jit(kernel)(*tuple(_d.values())))

</pallas_src>

<mosaic_0001>
#map = affine_map<(d0, d1) -> (0, 0, 0)>
#map1 = affine_map<(d0, d1) -> (0)>
module attributes {stable_mosaic.version = 14 : i64} {
  func.func @_gather_kernel(%arg0: i32, %arg1: i32, %arg2: memref<2048x8x1000xf32, #tpu.memory_space<hbm>>, %arg3: memref<16384xi32, #tpu.memory_space<hbm>>, %arg4: memref<16384xf32, #tpu.memory_space<hbm>>, %arg5: memref<512xi32, #tpu.memory_space<vmem>>, %arg6: memref<2x8x1000xf32, #tpu.memory_space<vmem>>, %arg7: memref<2x8x1000xf32, #tpu.memory_space<vmem>>, %arg8: memref<2x8x1000xf32, #tpu.memory_space<vmem>>, %arg9: memref<2x8x1000xf32, #tpu.memory_space<vmem>>, %arg10: memref<512xf32, #tpu.memory_space<vmem>>, %arg11: memref<!tpu.dma_semaphore, #tpu.memory_space<semaphore_mem>>, %arg12: memref<!tpu.dma_semaphore, #tpu.memory_space<semaphore_mem>>, %arg13: memref<!tpu.dma_semaphore, #tpu.memory_space<semaphore_mem>>, %arg14: memref<!tpu.dma_semaphore, #tpu.memory_space<semaphore_mem>>) attributes {dimension_semantics = [#tpu.dimension_semantics<core_parallel>, #tpu.dimension_semantics<subcore_parallel>], iteration_bounds = array<i64: 2, 16>, scalar_prefetch = 0 : i64, scratch_operands = 10 : i64, tpu.core_type = #tpu.core_type<sc_vector_subcore>, window_params = [{transform_indices = #map}, {transform_indices = #map1}, {transform_indices = #map1}]} {
    %mul3A = arith.constant 2 : i32
    %mul3A_0 = arith.muli %arg1, %mul3A : i32
    %add3A = arith.addi %mul3A_0, %arg0 : i32
    %mul3A_1 = arith.constant 512 : i32
    %mul3A_2 = arith.muli %add3A, %mul3A_1 : i32
    %mul3A_3 = arith.constant 64 : i32
    %mul3A_4 = arith.muli %add3A, %mul3A_3 : i32
    "tpu.region"() ({
      %run_scoped3A = tpu.sem_alloc : memref<!tpu.dma_semaphore, #tpu.memory_space<semaphore_mem>>
      %dma_start3A_925 = tpu.memref_slice %arg3[%mul3A_2] : memref<16384xi32, #tpu.memory_space<hbm>> -> memref<512xi32, #tpu.memory_space<hbm>>
      %dma_start3A_926 = tpu.memref_slice %arg3[%mul3A_2] : memref<16384xi32, #tpu.memory_space<hbm>> -> memref<512xi32, #tpu.memory_space<hbm>>
      tpu.enqueue_dma source(%dma_start3A_926 : memref<512xi32, #tpu.memory_space<hbm>>) target(%arg5 : memref<512xi32, #tpu.memory_space<vmem>>) target_semaphore(%run_scoped3A : memref<!tpu.dma_semaphore, #tpu.memory_space<semaphore_mem>>)
      %dma_wait3A_927 = tpu.memref_slice %arg3[%mul3A_2] : memref<16384xi32, #tpu.memory_space<hbm>> -> memref<512xi32, #tpu.memory_space<hbm>>
      %dma_wait3A_928 = tpu.memref_slice %arg3[%mul3A_2] : memref<16384xi32, #tpu.memory_space<hbm>> -> memref<512xi32, #tpu.memory_space<hbm>>
      tpu.wait_dma2 semaphore(%run_scoped3A : memref<!tpu.dma_semaphore, #tpu.memory_space<semaphore_mem>>) src(%dma_wait3A_928 : memref<512xi32, #tpu.memory_space<hbm>>) dst(%arg5 : memref<512xi32, #tpu.memory_space<vmem>>)
      tpu.yield
    }) : () -> ()
    %add3A_5 = arith.constant 0 : i32
    %add3A_6 = arith.addi %mul3A_4, %add3A_5 : i32
    %dma_start3A = arith.constant 0 : i32
    %dma_start3A_7 = arith.constant 0 : i32
    %dma_start3A_8 = tpu.memref_slice %arg2[%add3A_6, %dma_start3A, %dma_start3A_7] : memref<2048x8x1000xf32, #tpu.memory_space<hbm>> -> memref<2x8x1000xf32, #tpu.memory_space<hbm>>
    %dma_start3A_9 = arith.constant 0 : i32
    %dma_start3A_10 = arith.constant 0 : i32
    %dma_start3A_11 = tpu.memref_slice %arg2[%add3A_6, %dma_start3A_9, %dma_start3A_10] : memref<2048x8x1000xf32, #tpu.memory_space<hbm>> -> memref<2x8x1000xf32, #tpu.memory_space<hbm>>
    tpu.enqueue_dma source(%dma_start3A_11 : memref<2x8x1000xf32, #tpu.memory_space<hbm>>) target(%arg6 : memref<2x8x1000xf32, #tpu.memory_space<vmem>>) target_semaphore(%arg11 : memref<!tpu.dma_semaphore, #tpu.memory_space<semaphore_mem>>)
    %add3A_12 = arith.constant 2 : i32
    %add3A_13 = arith.addi %mul3A_4, %add3A_12 : i32
    %dma_start3A_14 = arith.constant 0 : i32
    %dma_start3A_15 = arith.constant 0 : i32
    %dma_start3A_16 = tpu.memref_slice %arg2[%add3A_13, %dma_start3A_14, %dma_start3A_15] : memref<2048x8x1000xf32, #tpu.memory_space<hbm>> -> memref<2x8x1000xf32, #tpu.memory_space<hbm>>
    %dma_start3A_17 = arith.constant 0 : i32
    %dma_start3A_18 = arith.constant 0 : i32
    %dma_start3A_19 = tpu.memref_slice %arg2[%add3A_13, %dma_start3A_17, %dma_start3A_18] : memref<2048x8x1000xf32, #tpu.memory_space<hbm>> -> memref<2x8x1000xf32, #tpu.memory_space<hbm>>
    tpu.enqueue_dma source(%dma_start3A_19 : memref<2x8x1000xf32, #tpu.memory_space<hbm>>) target(%arg7 : memref<2x8x1000xf32, #tpu.memory_space<vmem>>) target_semaphore(%arg12 : memref<!tpu.dma_semaphore, #tpu.memory_space<semaphore_mem>>)
    %add3A_20 = arith.constant 4 : i32
    %add3A_21 = arith.addi %mul3A_4, %add3A_20 : i32
    %dma_start3A_22 = arith.constant 0 : i32
    %dma_start3A_23 = arith.constant 0 : i32
    %dma_start3A_24 = tpu.memref_slice %arg2[%add3A_21, %dma_start3A_22, %dma_start3A_23] : memref<2048x8x1000xf32, #tpu.memory_space<hbm>> -> memref<2x8x1000xf32, #tpu.memory_space<hbm>>
    %dma_start3A_25 = arith.constant 0 : i32
    %dma_start3A_26 = arith.constant 0 : i32
    %dma_start3A_27 = tpu.memref_slice %arg2[%add3A_21, %dma_start3A_25, %dma_start3A_26] : memref<2048x8x1000xf32, #tpu.memory_space<hbm>> -> memref<2x8x1000xf32, #tpu.memory_space<hbm>>
    tpu.enqueue_dma source(%dma_start3A_27 : memref<2x8x1000xf32, #tpu.memory_space<hbm>>) target(%arg8 : memref<2x8x1000xf32, #tpu.memory_space<vmem>>) target_semaphore(%arg13 : memref<!tpu.dma_semaphore, #tpu.memory_space<semaphore_mem>>)
    %add3A_28 = arith.constant 6 : i32
    %add3A_29 = arith.addi %mul3A_4, %add3A_28 : i32
    %dma_start3A_30 = arith.constant 0 : i32
    %dma_start3A_31 = arith.constant 0 : i32
    %dma_start3A_32 = tpu.memref_slice %arg2[%add3A_29, %dma_start3A_30, %dma_start3A_31] : memref<2048x8x1000xf32, #tpu.memory_space<hbm>> -> memref<2x8x1000xf32, #tpu.memory_space<hbm>>
    %dma_start3A_33 = arith.constant 0 : i32
    %dma_start3A_34 = arith.constant 0 : i32
    %dma_start3A_35 = tpu.memref_slice %arg2[%add3A_29, %dma_start3A_33, %dma_start3A_34] : memref<2048x8x1000xf32, #tpu.memory_space<hbm>> -> memref<2x8x1000xf32, #tpu.memory_space<hbm>>
    tpu.enqueue_dma source(%dma_start3A_35 : memref<2x8x1000xf32, #tpu.memory_space<hbm>>) target(%arg9 : memref<2x8x1000xf32, #tpu.memory_space<vmem>>) target_semaphore(%arg14 : memref<!tpu.dma_semaphore, #tpu.memory_space<semaphore_mem>>)
    %dma_wait3A = arith.constant 0 : i32
    %dma_wait3A_36 = arith.constant 0 : i32
    %dma_wait3A_37 = tpu.memref_slice %arg2[%add3A_6, %dma_wait3A, %dma_wait3A_36] : memref<2048x8x1000xf32, #tpu.memory_space<hbm>> -> memref<2x8x1000xf32, #tpu.memory_space<hbm>>
    %dma_wait3A_38 = arith.constant 0 : i32
    %dma_wait3A_39 = arith.constant 0 : i32
    %dma_wait3A_40 = tpu.memref_slice %arg2[%add3A_6, %dma_wait3A_38, %dma_wait3A_39] : memref<2048x8x1000xf32, #tpu.memory_space<hbm>> -> memref<2x8x1000xf32, #tpu.memory_space<hbm>>
    tpu.wait_dma2 semaphore(%arg11 : memref<!tpu.dma_semaphore, #tpu.memory_space<semaphore_mem>>) src(%dma_wait3A_40 : memref<2x8x1000xf32, #tpu.memory_space<hbm>>) dst(%arg6 : memref<2x8x1000xf32, #tpu.memory_space<vmem>>)
    %get3A = arith.constant 0 : index
    %get3A_41 = tpu.vector_load %arg5[%get3A] {strides = array<i32>} : memref<512xi32, #tpu.memory_space<vmem>>, vector<16xi32>,
    %iota3A = tpu.iota {dimensions = array<i32: 0>} : vector<16xi32>
    %add3A_42 = arith.constant 0 : i32
    %add3A_43 = vector.broadcast %add3A_42 : i32 to vector<16xi32>
    %add3A_44 = arith.addi %add3A_43, %iota3A : vector<16xi32>
    %shift_right_logical3A = arith.constant 3 : i32
    %shift_right_logical3A_45 = vector.broadcast %shift_right_logical3A : i32 to vector<16xi32>
    %shift_right_logical3A_46 = arith.shrui %add3A_44, %shift_right_logical3A_45 : vector<16xi32>
    %and3A = arith.constant 7 : i32
    %and3A_47 = vector.broadcast %and3A : i32 to vector<16xi32>
    %and3A_48 = arith.andi %add3A_44, %and3A_47 : vector<16xi32>
    %gather3A = tpu.vector_load_idx %arg6[%shift_right_logical3A_46, %and3A_48, %get3A_41] : memref<2x8x1000xf32, #tpu.memory_space<vmem>>[vector<16xi32>, vector<16xi32>, vector<16xi32>], vector<16xf32>,
    %swap3A = arith.constant 0 : index
    %swap3A_49 = tpu.vector_load %arg10[%swap3A] {strides = array<i32>} : memref<512xf32, #tpu.memory_space<vmem>>, vector<16xf32>,
    tpu.vector_store %arg10[%swap3A], %gather3A {strides = array<i32>} : memref<512xf32, #tpu.memory_space<vmem>>, vector<16xf32>,
    %add3A_50 = arith.constant 8 : i32
    %add3A_51 = arith.addi %mul3A_4, %add3A_50 : i32
    %dma_start3A_52 = arith.constant 0 : i32
    %dma_start3A_53 = arith.constant 0 : i32
    %dma_start3A_54 = tpu.memref_slice %arg2[%add3A_51, %dma_start3A_52, %dma_start3A_53] : memref<2048x8x1000xf32, #tpu.memory_space<hbm>> -> memref<2x8x1000xf32, #tpu.memory_space<hbm>>
    %dma_start3A_55 = arith.constant 0 : i32
    %dma_start3A_56 = arith.constant 0 : i32
    %dma_start3A_57 = tpu.memref_slice %arg2[%add3A_51, %dma_start3A_55, %dma_start3A_56] : memref<2048x8x1000xf32, #tpu.memory_space<hbm>> -> memref<2x8x1000xf32, #tpu.memory_space<hbm>>
    tpu.enqueue_dma source(%dma_start3A_57 : memref<2x8x1000xf32, #tpu.memory_space<hbm>>) target(%arg6 : memref<2x8x1000xf32, #tpu.memory_space<vmem>>) target_semaphore(%arg11 : memref<!tpu.dma_semaphore, #tpu.memory_space<semaphore_mem>>)
    %dma_wait3A_58 = arith.constant 0 : i32
    %dma_wait3A_59 = arith.constant 0 : i32
    %dma_wait3A_60 = tpu.memref_slice %arg2[%add3A_13, %dma_wait3A_58, %dma_wait3A_59] : memref<2048x8x1000xf32, #tpu.memory_space<hbm>> -> memref<2x8x1000xf32, #tpu.memory_space<hbm>>
    %dma_wait3A_61 = arith.constant 0 : i32
    %dma_wait3A_62 = arith.constant 0 : i32
    %dma_wait3A_63 = tpu.memref_slice %arg2[%add3A_13, %dma_wait3A_61, %dma_wait3A_62] : memref<2048x8x1000xf32, #tpu.memory_space<hbm>> -> memref<2x8x1000xf32, #tpu.memory_space<hbm>>
    tpu.wait_dma2 semaphore(%arg12 : memref<!tpu.dma_semaphore, #tpu.memory_space<semaphore_mem>>) src(%dma_wait3A_63 : memref<2x8x1000xf32, #tpu.memory_space<hbm>>) dst(%arg7 : memref<2x8x1000xf32, #tpu.memory_space<vmem>>)
    %get3A_64 = arith.constant 16 : index
    %get3A_65 = tpu.vector_load %arg5[%get3A_64] {strides = array<i32>} : memref<512xi32, #tpu.memory_space<vmem>>, vector<16xi32>,
    %iota3A_66 = tpu.iota {dimensions = array<i32: 0>} : vector<16xi32>
    %add3A_67 = arith.constant 0 : i32
    %add3A_68 = vector.broadcast %add3A_67 : i32 to vector<16xi32>
    %add3A_69 = arith.addi %add3A_68, %iota3A_66 : vector<16xi32>
    %shift_right_logical3A_70 = arith.constant 3 : i32
    %shift_right_logical3A_71 = vector.broadcast %shift_right_logical3A_70 : i32 to vector<16xi32>
    %shift_right_logical3A_72 = arith.shrui %add3A_69, %shift_right_logical3A_71 : vector<16xi32>
    %and3A_73 = arith.constant 7 : i32
    %and3A_74 = vector.broadcast %and3A_73 : i32 to vector<16xi32>
    %and3A_75 = arith.andi %add3A_69, %and3A_74 : vector<16xi32>
    %gather3A_76 = tpu.vector_load_idx %arg7[%shift_right_logical3A_72, %and3A_75, %get3A_65] : memref<2x8x1000xf32, #tpu.memory_space<vmem>>[vector<16xi32>, vector<16xi32>, vector<16xi32>], vector<16xf32>,
    %swap3A_77 = arith.constant 16 : index
    %swap3A_78 = tpu.vector_load %arg10[%swap3A_77] {strides = array<i32>} : memref<512xf32, #tpu.memory_space<vmem>>, vector<16xf32>,
    tpu.vector_store %arg10[%swap3A_77], %gather3A_76 {strides = array<i32>} : memref<512xf32, #tpu.memory_space<vmem>>, vector<16xf32>,
    %add3A_79 = arith.constant 10 : i32
    %add3A_80 = arith.addi %mul3A_4, %add3A_79 : i32
    %dma_start3A_81 = arith.constant 0 : i32
    %dma_start3A_82 = arith.constant 0 : i32
    %dma_start3A_83 = tpu.memref_slice %arg2[%add3A_80, %dma_start3A_81, %dma_start3A_82] : memref<2048x8x1000xf32, #tpu.memory_space<hbm>> -> memref<2x8x1000xf32, #tpu.memory_space<hbm>>
    %dma_start3A_84 = arith.constant 0 : i32
    %dma_start3A_85 = arith.constant 0 : i32
    %dma_start3A_86 = tpu.memref_slice %arg2[%add3A_80, %dma_start3A_84, %dma_start3A_85] : memref<2048x8x1000xf32, #tpu.memory_space<hbm>> -> memref<2x8x1000xf32, #tpu.memory_space<hbm>>
    tpu.enqueue_dma source(%dma_start3A_86 : memref<2x8x1000xf32, #tpu.memory_space<hbm>>) target(%arg7 : memref<2x8x1000xf32, #tpu.memory_space<vmem>>) target_semaphore(%arg12 : memref<!tpu.dma_semaphore, #tpu.memory_space<semaphore_mem>>)
    %dma_wait3A_87 = arith.constant 0 : i32
    %dma_wait3A_88 = arith.constant 0 : i32
    %dma_wait3A_89 = tpu.memref_slice %arg2[%add3A_21, %dma_wait3A_87, %dma_wait3A_88] : memref<2048x8x1000xf32, #tpu.memory_space<hbm>> -> memref<2x8x1000xf32, #tpu.memory_space<hbm>>
    %dma_wait3A_90 = arith.constant 0 : i32
    %dma_wait3A_91 = arith.constant 0 : i32
    %dma_wait3A_92 = tpu.memref_slice %arg2[%add3A_21, %dma_wait3A_90, %dma_wait3A_91] : memref<2048x8x1000xf32, #tpu.memory_space<hbm>> -> memref<2x8x1000xf32, #tpu.memory_space<hbm>>
    tpu.wait_dma2 semaphore(%arg13 : memref<!tpu.dma_semaphore, #tpu.memory_space<semaphore_mem>>) src(%dma_wait3A_92 : memref<2x8x1000xf32, #tpu.memory_space<hbm>>) dst(%arg8 : memref<2x8x1000xf32, #tpu.memory_space<vmem>>)
    %get3A_93 = arith.constant 32 : index
    %get3A_94 = tpu.vector_load %arg5[%get3A_93] {strides = array<i32>} : memref<512xi32, #tpu.memory_space<vmem>>, vector<16xi32>,
    %iota3A_95 = tpu.iota {dimensions = array<i32: 0>} : vector<16xi32>
    %add3A_96 = arith.constant 0 : i32
    %add3A_97 = vector.broadcast %add3A_96 : i32 to vector<16xi32>
    %add3A_98 = arith.addi %add3A_97, %iota3A_95 : vector<16xi32>
    %shift_right_logical3A_99 = arith.constant 3 : i32
    %shift_right_logical3A_100 = vector.broadcast %shift_right_logical3A_99 : i32 to vector<16xi32>
    %shift_right_logical3A_101 = arith.shrui %add3A_98, %shift_right_logical3A_100 : vector<16xi32>
    %and3A_102 = arith.constant 7 : i32
    %and3A_103 = vector.broadcast %and3A_102 : i32 to vector<16xi32>
    %and3A_104 = arith.andi %add3A_98, %and3A_103 : vector<16xi32>
    %gather3A_105 = tpu.vector_load_idx %arg8[%shift_right_logical3A_101, %and3A_104, %get3A_94] : memref<2x8x1000xf32, #tpu.memory_space<vmem>>[vector<16xi32>, vector<16xi32>, vector<16xi32>], vector<16xf32>,
    %swap3A_106 = arith.constant 32 : index
    %swap3A_107 = tpu.vector_load %arg10[%swap3A_106] {strides = array<i32>} : memref<512xf32, #tpu.memory_space<vmem>>, vector<16xf32>,
    tpu.vector_store %arg10[%swap3A_106], %gather3A_105 {strides = array<i32>} : memref<512xf32, #tpu.memory_space<vmem>>, vector<16xf32>,
    %add3A_108 = arith.constant 12 : i32
    %add3A_109 = arith.addi %mul3A_4, %add3A_108 : i32
    %dma_start3A_110 = arith.constant 0 : i32
    %dma_start3A_111 = arith.constant 0 : i32
    %dma_start3A_112 = tpu.memref_slice %arg2[%add3A_109, %dma_start3A_110, %dma_start3A_111] : memref<2048x8x1000xf32, #tpu.memory_space<hbm>> -> memref<2x8x1000xf32, #tpu.memory_space<hbm>>
    %dma_start3A_113 = arith.constant 0 : i32
    %dma_start3A_114 = arith.constant 0 : i32
    %dma_start3A_115 = tpu.memref_slice %arg2[%add3A_109, %dma_start3A_113, %dma_start3A_114] : memref<2048x8x1000xf32, #tpu.memory_space<hbm>> -> memref<2x8x1000xf32, #tpu.memory_space<hbm>>
    tpu.enqueue_dma source(%dma_start3A_115 : memref<2x8x1000xf32, #tpu.memory_space<hbm>>) target(%arg8 : memref<2x8x1000xf32, #tpu.memory_space<vmem>>) target_semaphore(%arg13 : memref<!tpu.dma_semaphore, #tpu.memory_space<semaphore_mem>>)
    %dma_wait3A_116 = arith.constant 0 : i32
    %dma_wait3A_117 = arith.constant 0 : i32
    %dma_wait3A_118 = tpu.memref_slice %arg2[%add3A_29, %dma_wait3A_116, %dma_wait3A_117] : memref<2048x8x1000xf32, #tpu.memory_space<hbm>> -> memref<2x8x1000xf32, #tpu.memory_space<hbm>>
    %dma_wait3A_119 = arith.constant 0 : i32
    %dma_wait3A_120 = arith.constant 0 : i32
    %dma_wait3A_121 = tpu.memref_slice %arg2[%add3A_29, %dma_wait3A_119, %dma_wait3A_120] : memref<2048x8x1000xf32, #tpu.memory_space<hbm>> -> memref<2x8x1000xf32, #tpu.memory_space<hbm>>
    tpu.wait_dma2 semaphore(%arg14 : memref<!tpu.dma_semaphore, #tpu.memory_space<semaphore_mem>>) src(%dma_wait3A_121 : memref<2x8x1000xf32, #tpu.memory_space<hbm>>) dst(%arg9 : memref<2x8x1000xf32, #tpu.memory_space<vmem>>)
    %get3A_122 = arith.constant 48 : index
    %get3A_123 = tpu.vector_load %arg5[%get3A_122] {strides = array<i32>} : memref<512xi32, #tpu.memory_space<vmem>>, vector<16xi32>,
    %iota3A_124 = tpu.iota {dimensions = array<i32: 0>} : vector<16xi32>
    %add3A_125 = arith.constant 0 : i32
    %add3A_126 = vector.broadcast %add3A_125 : i32 to vector<16xi32>
    %add3A_127 = arith.addi %add3A_126, %iota3A_124 : vector<16xi32>
    %shift_right_logical3A_128 = arith.constant 3 : i32
    %shift_right_logical3A_129 = vector.broadcast %shift_right_logical3A_128 : i32 to vector<16xi32>
    %shift_right_logical3A_130 = arith.shrui %add3A_127, %shift_right_logical3A_129 : vector<16xi32>
    %and3A_131 = arith.constant 7 : i32
    %and3A_132 = vector.broadcast %and3A_131 : i32 to vector<16xi32>
    %and3A_133 = arith.andi %add3A_127, %and3A_132 : vector<16xi32>
    %gather3A_134 = tpu.vector_load_idx %arg9[%shift_right_logical3A_130, %and3A_133, %get3A_123] : memref<2x8x1000xf32, #tpu.memory_space<vmem>>[vector<16xi32>, vector<16xi32>, vector<16xi32>], vector<16xf32>,
    %swap3A_135 = arith.constant 48 : index
    %swap3A_136 = tpu.vector_load %arg10[%swap3A_135] {strides = array<i32>} : memref<512xf32, #tpu.memory_space<vmem>>, vector<16xf32>,
    tpu.vector_store %arg10[%swap3A_135], %gather3A_134 {strides = array<i32>} : memref<512xf32, #tpu.memory_space<vmem>>, vector<16xf32>,
    %add3A_137 = arith.constant 14 : i32
    %add3A_138 = arith.addi %mul3A_4, %add3A_137 : i32
    %dma_start3A_139 = arith.constant 0 : i32
    %dma_start3A_140 = arith.constant 0 : i32
    %dma_start3A_141 = tpu.memref_slice %arg2[%add3A_138, %dma_start3A_139, %dma_start3A_140] : memref<2048x8x1000xf32, #tpu.memory_space<hbm>> -> memref<2x8x1000xf32, #tpu.memory_space<hbm>>
    %dma_start3A_142 = arith.constant 0 : i32
    %dma_start3A_143 = arith.constant 0 : i32
    %dma_start3A_144 = tpu.memref_slice %arg2[%add3A_138, %dma_start3A_142, %dma_start3A_143] : memref<2048x8x1000xf32, #tpu.memory_space<hbm>> -> memref<2x8x1000xf32, #tpu.memory_space<hbm>>
    tpu.enqueue_dma source(%dma_start3A_144 : memref<2x8x1000xf32, #tpu.memory_space<hbm>>) target(%arg9 : memref<2x8x1000xf32, #tpu.memory_space<vmem>>) target_semaphore(%arg14 : memref<!tpu.dma_semaphore, #tpu.memory_space<semaphore_mem>>)
    %dma_wait3A_145 = arith.constant 0 : i32
    %dma_wait3A_146 = arith.constant 0 : i32
    %dma_wait3A_147 = tpu.memref_slice %arg2[%add3A_51, %dma_wait3A_145, %dma_wait3A_146] : memref<2048x8x1000xf32, #tpu.memory_space<hbm>> -> memref<2x8x1000xf32, #tpu.memory_space<hbm>>
    %dma_wait3A_148 = arith.constant 0 : i32
    %dma_wait3A_149 = arith.constant 0 : i32
    %dma_wait3A_150 = tpu.memref_slice %arg2[%add3A_51, %dma_wait3A_148, %dma_wait3A_149] : memref<2048x8x1000xf32, #tpu.memory_space<hbm>> -> memref<2x8x1000xf32, #tpu.memory_space<hbm>>
    tpu.wait_dma2 semaphore(%arg11 : memref<!tpu.dma_semaphore, #tpu.memory_space<semaphore_mem>>) src(%dma_wait3A_150 : memref<2x8x1000xf32, #tpu.memory_space<hbm>>) dst(%arg6 : memref<2x8x1000xf32, #tpu.memory_space<vmem>>)
    %get3A_151 = arith.constant 64 : index
    %get3A_152 = tpu.vector_load %arg5[%get3A_151] {strides = array<i32>} : memref<512xi32, #tpu.memory_space<vmem>>, vector<16xi32>,
    %iota3A_153 = tpu.iota {dimensions = array<i32: 0>} : vector<16xi32>
    %add3A_154 = arith.constant 0 : i32
    %add3A_155 = vector.broadcast %add3A_154 : i32 to vector<16xi32>
    %add3A_156 = arith.addi %add3A_155, %iota3A_153 : vector<16xi32>
    %shift_right_logical3A_157 = arith.constant 3 : i32
    %shift_right_logical3A_158 = vector.broadcast %shift_right_logical3A_157 : i32 to vector<16xi32>
    %shift_right_logical3A_159 = arith.shrui %add3A_156, %shift_right_logical3A_158 : vector<16xi32>
    %and3A_160 = arith.constant 7 : i32
    %and3A_161 = vector.broadcast %and3A_160 : i32 to vector<16xi32>
    %and3A_162 = arith.andi %add3A_156, %and3A_161 : vector<16xi32>
    %gather3A_163 = tpu.vector_load_idx %arg6[%shift_right_logical3A_159, %and3A_162, %get3A_152] : memref<2x8x1000xf32, #tpu.memory_space<vmem>>[vector<16xi32>, vector<16xi32>, vector<16xi32>], vector<16xf32>,
    %swap3A_164 = arith.constant 64 : index
    %swap3A_165 = tpu.vector_load %arg10[%swap3A_164] {strides = array<i32>} : memref<512xf32, #tpu.memory_space<vmem>>, vector<16xf32>,
    tpu.vector_store %arg10[%swap3A_164], %gather3A_163 {strides = array<i32>} : memref<512xf32, #tpu.memory_space<vmem>>, vector<16xf32>,
    %add3A_166 = arith.constant 16 : i32
    %add3A_167 = arith.addi %mul3A_4, %add3A_166 : i32
    %dma_start3A_168 = arith.constant 0 : i32
    %dma_start3A_169 = arith.constant 0 : i32
    %dma_start3A_170 = tpu.memref_slice %arg2[%add3A_167, %dma_start3A_168, %dma_start3A_169] : memref<2048x8x1000xf32, #tpu.memory_space<hbm>> -> memref<2x8x1000xf32, #tpu.memory_space<hbm>>
    %dma_start3A_171 = arith.constant 0 : i32
    %dma_start3A_172 = arith.constant 0 : i32
    %dma_start3A_173 = tpu.memref_slice %arg2[%add3A_167, %dma_start3A_171, %dma_start3A_172] : memref<2048x8x1000xf32, #tpu.memory_space<hbm>> -> memref<2x8x1000xf32, #tpu.memory_space<hbm>>
    tpu.enqueue_dma source(%dma_start3A_173 : memref<2x8x1000xf32, #tpu.memory_space<hbm>>) target(%arg6 : memref<2x8x1000xf32, #tpu.memory_space<vmem>>) target_semaphore(%arg11 : memref<!tpu.dma_semaphore, #tpu.memory_space<semaphore_mem>>)
    %dma_wait3A_174 = arith.constant 0 : i32
    %dma_wait3A_175 = arith.constant 0 : i32
    %dma_wait3A_176 = tpu.memref_slice %arg2[%add3A_80, %dma_wait3A_174, %dma_wait3A_175] : memref<2048x8x1000xf32, #tpu.memory_space<hbm>> -> memref<2x8x1000xf32, #tpu.memory_space<hbm>>
    %dma_wait3A_177 = arith.constant 0 : i32
    %dma_wait3A_178 = arith.constant 0 : i32
    %dma_wait3A_179 = tpu.memref_slice %arg2[%add3A_80, %dma_wait3A_177, %dma_wait3A_178] : memref<2048x8x1000xf32, #tpu.memory_space<hbm>> -> memref<2x8x1000xf32, #tpu.memory_space<hbm>>
    tpu.wait_dma2 semaphore(%arg12 : memref<!tpu.dma_semaphore, #tpu.memory_space<semaphore_mem>>) src(%dma_wait3A_179 : memref<2x8x1000xf32, #tpu.memory_space<hbm>>) dst(%arg7 : memref<2x8x1000xf32, #tpu.memory_space<vmem>>)
    %get3A_180 = arith.constant 80 : index
    %get3A_181 = tpu.vector_load %arg5[%get3A_180] {strides = array<i32>} : memref<512xi32, #tpu.memory_space<vmem>>, vector<16xi32>,
    %iota3A_182 = tpu.iota {dimensions = array<i32: 0>} : vector<16xi32>
    %add3A_183 = arith.constant 0 : i32
    %add3A_184 = vector.broadcast %add3A_183 : i32 to vector<16xi32>
    %add3A_185 = arith.addi %add3A_184, %iota3A_182 : vector<16xi32>
    %shift_right_logical3A_186 = arith.constant 3 : i32
    %shift_right_logical3A_187 = vector.broadcast %shift_right_logical3A_186 : i32 to vector<16xi32>
    %shift_right_logical3A_188 = arith.shrui %add3A_185, %shift_right_logical3A_187 : vector<16xi32>
    %and3A_189 = arith.constant 7 : i32
    %and3A_190 = vector.broadcast %and3A_189 : i32 to vector<16xi32>
    %and3A_191 = arith.andi %add3A_185, %and3A_190 : vector<16xi32>
    %gather3A_192 = tpu.vector_load_idx %arg7[%shift_right_logical3A_188, %and3A_191, %get3A_181] : memref<2x8x1000xf32, #tpu.memory_space<vmem>>[vector<16xi32>, vector<16xi32>, vector<16xi32>], vector<16xf32>,
    %swap3A_193 = arith.constant 80 : index
    %swap3A_194 = tpu.vector_load %arg10[%swap3A_193] {strides = array<i32>} : memref<512xf32, #tpu.memory_space<vmem>>, vector<16xf32>,
    tpu.vector_store %arg10[%swap3A_193], %gather3A_192 {strides = array<i32>} : memref<512xf32, #tpu.memory_space<vmem>>, vector<16xf32>,
    %add3A_195 = arith.constant 18 : i32
    %add3A_196 = arith.addi %mul3A_4, %add3A_195 : i32
    %dma_start3A_197 = arith.constant 0 : i32
    %dma_start3A_198 = arith.constant 0 : i32
    %dma_start3A_199 = tpu.memref_slice %arg2[%add3A_196, %dma_start3A_197, %dma_start3A_198] : memref<2048x8x1000xf32, #tpu.memory_space<hbm>> -> memref<2x8x1000xf32, #tpu.memory_space<hbm>>
    %dma_start3A_200 = arith.constant 0 : i32
    %dma_start3A_201 = arith.constant 0 : i32
    %dma_start3A_202 = tpu.memref_slice %arg2[%add3A_196, %dma_start3A_200, %dma_start3A_201] : memref<2048x8x1000xf32, #tpu.memory_space<hbm>> -> memref<2x8x1000xf32, #tpu.memory_space<hbm>>
    tpu.enqueue_dma source(%dma_start3A_202 : memref<2x8x1000xf32, #tpu.memory_space<hbm>>) target(%arg7 : memref<2x8x1000xf32, #tpu.memory_space<vmem>>) target_semaphore(%arg12 : memref<!tpu.dma_semaphore, #tpu.memory_space<semaphore_mem>>)
    %dma_wait3A_203 = arith.constant 0 : i32
    %dma_wait3A_204 = arith.constant 0 : i32
    %dma_wait3A_205 = tpu.memref_slice %arg2[%add3A_109, %dma_wait3A_203, %dma_wait3A_204] : memref<2048x8x1000xf32, #tpu.memory_space<hbm>> -> memref<2x8x1000xf32, #tpu.memory_space<hbm>>
    %dma_wait3A_206 = arith.constant 0 : i32
    %dma_wait3A_207 = arith.constant 0 : i32
    %dma_wait3A_208 = tpu.memref_slice %arg2[%add3A_109, %dma_wait3A_206, %dma_wait3A_207] : memref<2048x8x1000xf32, #tpu.memory_space<hbm>> -> memref<2x8x1000xf32, #tpu.memory_space<hbm>>
    tpu.wait_dma2 semaphore(%arg13 : memref<!tpu.dma_semaphore, #tpu.memory_space<semaphore_mem>>) src(%dma_wait3A_208 : memref<2x8x1000xf32, #tpu.memory_space<hbm>>) dst(%arg8 : memref<2x8x1000xf32, #tpu.memory_space<vmem>>)
    %get3A_209 = arith.constant 96 : index
    %get3A_210 = tpu.vector_load %arg5[%get3A_209] {strides = array<i32>} : memref<512xi32, #tpu.memory_space<vmem>>, vector<16xi32>,
    %iota3A_211 = tpu.iota {dimensions = array<i32: 0>} : vector<16xi32>
    %add3A_212 = arith.constant 0 : i32
    %add3A_213 = vector.broadcast %add3A_212 : i32 to vector<16xi32>
    %add3A_214 = arith.addi %add3A_213, %iota3A_211 : vector<16xi32>
    %shift_right_logical3A_215 = arith.constant 3 : i32
    %shift_right_logical3A_216 = vector.broadcast %shift_right_logical3A_215 : i32 to vector<16xi32>
    %shift_right_logical3A_217 = arith.shrui %add3A_214, %shift_right_logical3A_216 : vector<16xi32>
    %and3A_218 = arith.constant 7 : i32
    %and3A_219 = vector.broadcast %and3A_218 : i32 to vector<16xi32>
    %and3A_220 = arith.andi %add3A_214, %and3A_219 : vector<16xi32>
    %gather3A_221 = tpu.vector_load_idx %arg8[%shift_right_logical3A_217, %and3A_220, %get3A_210] : memref<2x8x1000xf32, #tpu.memory_space<vmem>>[vector<16xi32>, vector<16xi32>, vector<16xi32>], vector<16xf32>,
    %swap3A_222 = arith.constant 96 : index
    %swap3A_223 = tpu.vector_load %arg10[%swap3A_222] {strides = array<i32>} : memref<512xf32, #tpu.memory_space<vmem>>, vector<16xf32>,
    tpu.vector_store %arg10[%swap3A_222], %gather3A_221 {strides = array<i32>} : memref<512xf32, #tpu.memory_space<vmem>>, vector<16xf32>,
    %add3A_224 = arith.constant 20 : i32
    %add3A_225 = arith.addi %mul3A_4, %add3A_224 : i32
    %dma_start3A_226 = arith.constant 0 : i32
    %dma_start3A_227 = arith.constant 0 : i32
    %dma_start3A_228 = tpu.memref_slice %arg2[%add3A_225, %dma_start3A_226, %dma_start3A_227] : memref<2048x8x1000xf32, #tpu.memory_space<hbm>> -> memref<2x8x1000xf32, #tpu.memory_space<hbm>>
    %dma_start3A_229 = arith.constant 0 : i32
    %dma_start3A_230 = arith.constant 0 : i32
    %dma_start3A_231 = tpu.memref_slice %arg2[%add3A_225, %dma_start3A_229, %dma_start3A_230] : memref<2048x8x1000xf32, #tpu.memory_space<hbm>> -> memref<2x8x1000xf32, #tpu.memory_space<hbm>>
    tpu.enqueue_dma source(%dma_start3A_231 : memref<2x8x1000xf32, #tpu.memory_space<hbm>>) target(%arg8 : memref<2x8x1000xf32, #tpu.memory_space<vmem>>) target_semaphore(%arg13 : memref<!tpu.dma_semaphore, #tpu.memory_space<semaphore_mem>>)
    %dma_wait3A_232 = arith.constant 0 : i32
    %dma_wait3A_233 = arith.constant 0 : i32
    %dma_wait3A_234 = tpu.memref_slice %arg2[%add3A_138, %dma_wait3A_232, %dma_wait3A_233] : memref<2048x8x1000xf32, #tpu.memory_space<hbm>> -> memref<2x8x1000xf32, #tpu.memory_space<hbm>>
    %dma_wait3A_235 = arith.constant 0 : i32
    %dma_wait3A_236 = arith.constant 0 : i32
    %dma_wait3A_237 = tpu.memref_slice %arg2[%add3A_138, %dma_wait3A_235, %dma_wait3A_236] : memref<2048x8x1000xf32, #tpu.memory_space<hbm>> -> memref<2x8x1000xf32, #tpu.memory_space<hbm>>
    tpu.wait_dma2 semaphore(%arg14 : memref<!tpu.dma_semaphore, #tpu.memory_space<semaphore_mem>>) src(%dma_wait3A_237 : memref<2x8x1000xf32, #tpu.memory_space<hbm>>) dst(%arg9 : memref<2x8x1000xf32, #tpu.memory_space<vmem>>)
    %get3A_238 = arith.constant 112 : index
    %get3A_239 = tpu.vector_load %arg5[%get3A_238] {strides = array<i32>} : memref<512xi32, #tpu.memory_space<vmem>>, vector<16xi32>,
    %iota3A_240 = tpu.iota {dimensions = array<i32: 0>} : vector<16xi32>
    %add3A_241 = arith.constant 0 : i32
    %add3A_242 = vector.broadcast %add3A_241 : i32 to vector<16xi32>
    %add3A_243 = arith.addi %add3A_242, %iota3A_240 : vector<16xi32>
    %shift_right_logical3A_244 = arith.constant 3 : i32
    %shift_right_logical3A_245 = vector.broadcast %shift_right_logical3A_244 : i32 to vector<16xi32>
    %shift_right_logical3A_246 = arith.shrui %add3A_243, %shift_right_logical3A_245 : vector<16xi32>
    %and3A_247 = arith.constant 7 : i32
    %and3A_248 = vector.broadcast %and3A_247 : i32 to vector<16xi32>
    %and3A_249 = arith.andi %add3A_243, %and3A_248 : vector<16xi32>
    %gather3A_250 = tpu.vector_load_idx %arg9[%shift_right_logical3A_246, %and3A_249, %get3A_239] : memref<2x8x1000xf32, #tpu.memory_space<vmem>>[vector<16xi32>, vector<16xi32>, vector<16xi32>], vector<16xf32>,
    %swap3A_251 = arith.constant 112 : index
    %swap3A_252 = tpu.vector_load %arg10[%swap3A_251] {strides = array<i32>} : memref<512xf32, #tpu.memory_space<vmem>>, vector<16xf32>,
    tpu.vector_store %arg10[%swap3A_251], %gather3A_250 {strides = array<i32>} : memref<512xf32, #tpu.memory_space<vmem>>, vector<16xf32>,
    %add3A_253 = arith.constant 22 : i32
    %add3A_254 = arith.addi %mul3A_4, %add3A_253 : i32
    %dma_start3A_255 = arith.constant 0 : i32
    %dma_start3A_256 = arith.constant 0 : i32
    %dma_start3A_257 = tpu.memref_slice %arg2[%add3A_254, %dma_start3A_255, %dma_start3A_256] : memref<2048x8x1000xf32, #tpu.memory_space<hbm>> -> memref<2x8x1000xf32, #tpu.memory_space<hbm>>
    %dma_start3A_258 = arith.constant 0 : i32
    %dma_start3A_259 = arith.constant 0 : i32
    %dma_start3A_260 = tpu.memref_slice %arg2[%add3A_254, %dma_start3A_258, %dma_start3A_259] : memref<2048x8x1000xf32, #tpu.memory_space<hbm>> -> memref<2x8x1000xf32, #tpu.memory_space<hbm>>
    tpu.enqueue_dma source(%dma_start3A_260 : memref<2x8x1000xf32, #tpu.memory_space<hbm>>) target(%arg9 : memref<2x8x1000xf32, #tpu.memory_space<vmem>>) target_semaphore(%arg14 : memref<!tpu.dma_semaphore, #tpu.memory_space<semaphore_mem>>)
    %dma_wait3A_261 = arith.constant 0 : i32
    %dma_wait3A_262 = arith.constant 0 : i32
    %dma_wait3A_263 = tpu.memref_slice %arg2[%add3A_167, %dma_wait3A_261, %dma_wait3A_262] : memref<2048x8x1000xf32, #tpu.memory_space<hbm>> -> memref<2x8x1000xf32, #tpu.memory_space<hbm>>
    %dma_wait3A_264 = arith.constant 0 : i32
    %dma_wait3A_265 = arith.constant 0 : i32
    %dma_wait3A_266 = tpu.memref_slice %arg2[%add3A_167, %dma_wait3A_264, %dma_wait3A_265] : memref<2048x8x1000xf32, #tpu.memory_space<hbm>> -> memref<2x8x1000xf32, #tpu.memory_space<hbm>>
    tpu.wait_dma2 semaphore(%arg11 : memref<!tpu.dma_semaphore, #tpu.memory_space<semaphore_mem>>) src(%dma_wait3A_266 : memref<2x8x1000xf32, #tpu.memory_space<hbm>>) dst(%arg6 : memref<2x8x1000xf32, #tpu.memory_space<vmem>>)
    %get3A_267 = arith.constant 128 : index
    %get3A_268 = tpu.vector_load %arg5[%get3A_267] {strides = array<i32>} : memref<512xi32, #tpu.memory_space<vmem>>, vector<16xi32>,
    %iota3A_269 = tpu.iota {dimensions = array<i32: 0>} : vector<16xi32>
    %add3A_270 = arith.constant 0 : i32
    %add3A_271 = vector.broadcast %add3A_270 : i32 to vector<16xi32>
    %add3A_272 = arith.addi %add3A_271, %iota3A_269 : vector<16xi32>
    %shift_right_logical3A_273 = arith.constant 3 : i32
    %shift_right_logical3A_274 = vector.broadcast %shift_right_logical3A_273 : i32 to vector<16xi32>
    %shift_right_logical3A_275 = arith.shrui %add3A_272, %shift_right_logical3A_274 : vector<16xi32>
    %and3A_276 = arith.constant 7 : i32
    %and3A_277 = vector.broadcast %and3A_276 : i32 to vector<16xi32>
    %and3A_278 = arith.andi %add3A_272, %and3A_277 : vector<16xi32>
    %gather3A_279 = tpu.vector_load_idx %arg6[%shift_right_logical3A_275, %and3A_278, %get3A_268] : memref<2x8x1000xf32, #tpu.memory_space<vmem>>[vector<16xi32>, vector<16xi32>, vector<16xi32>], vector<16xf32>,
    %swap3A_280 = arith.constant 128 : index
    %swap3A_281 = tpu.vector_load %arg10[%swap3A_280] {strides = array<i32>} : memref<512xf32, #tpu.memory_space<vmem>>, vector<16xf32>,
    tpu.vector_store %arg10[%swap3A_280], %gather3A_279 {strides = array<i32>} : memref<512xf32, #tpu.memory_space<vmem>>, vector<16xf32>,
    %add3A_282 = arith.constant 24 : i32
    %add3A_283 = arith.addi %mul3A_4, %add3A_282 : i32
    %dma_start3A_284 = arith.constant 0 : i32
    %dma_start3A_285 = arith.constant 0 : i32
    %dma_start3A_286 = tpu.memref_slice %arg2[%add3A_283, %dma_start3A_284, %dma_start3A_285] : memref<2048x8x1000xf32, #tpu.memory_space<hbm>> -> memref<2x8x1000xf32, #tpu.memory_space<hbm>>
    %dma_start3A_287 = arith.constant 0 : i32
    %dma_start3A_288 = arith.constant 0 : i32
    %dma_start3A_289 = tpu.memref_slice %arg2[%add3A_283, %dma_start3A_287, %dma_start3A_288] : memref<2048x8x1000xf32, #tpu.memory_space<hbm>> -> memref<2x8x1000xf32, #tpu.memory_space<hbm>>
    tpu.enqueue_dma source(%dma_start3A_289 : memref<2x8x1000xf32, #tpu.memory_space<hbm>>) target(%arg6 : memref<2x8x1000xf32, #tpu.memory_space<vmem>>) target_semaphore(%arg11 : memref<!tpu.dma_semaphore, #tpu.memory_space<semaphore_mem>>)
    %dma_wait3A_290 = arith.constant 0 : i32
    %dma_wait3A_291 = arith.constant 0 : i32
    %dma_wait3A_292 = tpu.memref_slice %arg2[%add3A_196, %dma_wait3A_290, %dma_wait3A_291] : memref<2048x8x1000xf32, #tpu.memory_space<hbm>> -> memref<2x8x1000xf32, #tpu.memory_space<hbm>>
    %dma_wait3A_293 = arith.constant 0 : i32
    %dma_wait3A_294 = arith.constant 0 : i32
    %dma_wait3A_295 = tpu.memref_slice %arg2[%add3A_196, %dma_wait3A_293, %dma_wait3A_294] : memref<2048x8x1000xf32, #tpu.memory_space<hbm>> -> memref<2x8x1000xf32, #tpu.memory_space<hbm>>
    tpu.wait_dma2 semaphore(%arg12 : memref<!tpu.dma_semaphore, #tpu.memory_space<semaphore_mem>>) src(%dma_wait3A_295 : memref<2x8x1000xf32, #tpu.memory_space<hbm>>) dst(%arg7 : memref<2x8x1000xf32, #tpu.memory_space<vmem>>)
    %get3A_296 = arith.constant 144 : index
    %get3A_297 = tpu.vector_load %arg5[%get3A_296] {strides = array<i32>} : memref<512xi32, #tpu.memory_space<vmem>>, vector<16xi32>,
    %iota3A_298 = tpu.iota {dimensions = array<i32: 0>} : vector<16xi32>
    %add3A_299 = arith.constant 0 : i32
    %add3A_300 = vector.broadcast %add3A_299 : i32 to vector<16xi32>
    %add3A_301 = arith.addi %add3A_300, %iota3A_298 : vector<16xi32>
    %shift_right_logical3A_302 = arith.constant 3 : i32
    %shift_right_logical3A_303 = vector.broadcast %shift_right_logical3A_302 : i32 to vector<16xi32>
    %shift_right_logical3A_304 = arith.shrui %add3A_301, %shift_right_logical3A_303 : vector<16xi32>
    %and3A_305 = arith.constant 7 : i32
    %and3A_306 = vector.broadcast %and3A_305 : i32 to vector<16xi32>
    %and3A_307 = arith.andi %add3A_301, %and3A_306 : vector<16xi32>
    %gather3A_308 = tpu.vector_load_idx %arg7[%shift_right_logical3A_304, %and3A_307, %get3A_297] : memref<2x8x1000xf32, #tpu.memory_space<vmem>>[vector<16xi32>, vector<16xi32>, vector<16xi32>], vector<16xf32>,
    %swap3A_309 = arith.constant 144 : index
    %swap3A_310 = tpu.vector_load %arg10[%swap3A_309] {strides = array<i32>} : memref<512xf32, #tpu.memory_space<vmem>>, vector<16xf32>,
    tpu.vector_store %arg10[%swap3A_309], %gather3A_308 {strides = array<i32>} : memref<512xf32, #tpu.memory_space<vmem>>, vector<16xf32>,
    %add3A_311 = arith.constant 26 : i32
    %add3A_312 = arith.addi %mul3A_4, %add3A_311 : i32
    %dma_start3A_313 = arith.constant 0 : i32
    %dma_start3A_314 = arith.constant 0 : i32
    %dma_start3A_315 = tpu.memref_slice %arg2[%add3A_312, %dma_start3A_313, %dma_start3A_314] : memref<2048x8x1000xf32, #tpu.memory_space<hbm>> -> memref<2x8x1000xf32, #tpu.memory_space<hbm>>
    %dma_start3A_316 = arith.constant 0 : i32
    %dma_start3A_317 = arith.constant 0 : i32
    %dma_start3A_318 = tpu.memref_slice %arg2[%add3A_312, %dma_start3A_316, %dma_start3A_317] : memref<2048x8x1000xf32, #tpu.memory_space<hbm>> -> memref<2x8x1000xf32, #tpu.memory_space<hbm>>
    tpu.enqueue_dma source(%dma_start3A_318 : memref<2x8x1000xf32, #tpu.memory_space<hbm>>) target(%arg7 : memref<2x8x1000xf32, #tpu.memory_space<vmem>>) target_semaphore(%arg12 : memref<!tpu.dma_semaphore, #tpu.memory_space<semaphore_mem>>)
    %dma_wait3A_319 = arith.constant 0 : i32
    %dma_wait3A_320 = arith.constant 0 : i32
    %dma_wait3A_321 = tpu.memref_slice %arg2[%add3A_225, %dma_wait3A_319, %dma_wait3A_320] : memref<2048x8x1000xf32, #tpu.memory_space<hbm>> -> memref<2x8x1000xf32, #tpu.memory_space<hbm>>
    %dma_wait3A_322 = arith.constant 0 : i32
    %dma_wait3A_323 = arith.constant 0 : i32
    %dma_wait3A_324 = tpu.memref_slice %arg2[%add3A_225, %dma_wait3A_322, %dma_wait3A_323] : memref<2048x8x1000xf32, #tpu.memory_space<hbm>> -> memref<2x8x1000xf32, #tpu.memory_space<hbm>>
    tpu.wait_dma2 semaphore(%arg13 : memref<!tpu.dma_semaphore, #tpu.memory_space<semaphore_mem>>) src(%dma_wait3A_324 : memref<2x8x1000xf32, #tpu.memory_space<hbm>>) dst(%arg8 : memref<2x8x1000xf32, #tpu.memory_space<vmem>>)
    %get3A_325 = arith.constant 160 : index
    %get3A_326 = tpu.vector_load %arg5[%get3A_325] {strides = array<i32>} : memref<512xi32, #tpu.memory_space<vmem>>, vector<16xi32>,
    %iota3A_327 = tpu.iota {dimensions = array<i32: 0>} : vector<16xi32>
    %add3A_328 = arith.constant 0 : i32
    %add3A_329 = vector.broadcast %add3A_328 : i32 to vector<16xi32>
    %add3A_330 = arith.addi %add3A_329, %iota3A_327 : vector<16xi32>
    %shift_right_logical3A_331 = arith.constant 3 : i32
    %shift_right_logical3A_332 = vector.broadcast %shift_right_logical3A_331 : i32 to vector<16xi32>
    %shift_right_logical3A_333 = arith.shrui %add3A_330, %shift_right_logical3A_332 : vector<16xi32>
    %and3A_334 = arith.constant 7 : i32
    %and3A_335 = vector.broadcast %and3A_334 : i32 to vector<16xi32>
    %and3A_336 = arith.andi %add3A_330, %and3A_335 : vector<16xi32>
    %gather3A_337 = tpu.vector_load_idx %arg8[%shift_right_logical3A_333, %and3A_336, %get3A_326] : memref<2x8x1000xf32, #tpu.memory_space<vmem>>[vector<16xi32>, vector<16xi32>, vector<16xi32>], vector<16xf32>,
    %swap3A_338 = arith.constant 160 : index
    %swap3A_339 = tpu.vector_load %arg10[%swap3A_338] {strides = array<i32>} : memref<512xf32, #tpu.memory_space<vmem>>, vector<16xf32>,
    tpu.vector_store %arg10[%swap3A_338], %gather3A_337 {strides = array<i32>} : memref<512xf32, #tpu.memory_space<vmem>>, vector<16xf32>,
    %add3A_340 = arith.constant 28 : i32
    %add3A_341 = arith.addi %mul3A_4, %add3A_340 : i32
    %dma_start3A_342 = arith.constant 0 : i32
    %dma_start3A_343 = arith.constant 0 : i32
    %dma_start3A_344 = tpu.memref_slice %arg2[%add3A_341, %dma_start3A_342, %dma_start3A_343] : memref<2048x8x1000xf32, #tpu.memory_space<hbm>> -> memref<2x8x1000xf32, #tpu.memory_space<hbm>>
    %dma_start3A_345 = arith.constant 0 : i32
    %dma_start3A_346 = arith.constant 0 : i32
    %dma_start3A_347 = tpu.memref_slice %arg2[%add3A_341, %dma_start3A_345, %dma_start3A_346] : memref<2048x8x1000xf32, #tpu.memory_space<hbm>> -> memref<2x8x1000xf32, #tpu.memory_space<hbm>>
    tpu.enqueue_dma source(%dma_start3A_347 : memref<2x8x1000xf32, #tpu.memory_space<hbm>>) target(%arg8 : memref<2x8x1000xf32, #tpu.memory_space<vmem>>) target_semaphore(%arg13 : memref<!tpu.dma_semaphore, #tpu.memory_space<semaphore_mem>>)
    %dma_wait3A_348 = arith.constant 0 : i32
    %dma_wait3A_349 = arith.constant 0 : i32
    %dma_wait3A_350 = tpu.memref_slice %arg2[%add3A_254, %dma_wait3A_348, %dma_wait3A_349] : memref<2048x8x1000xf32, #tpu.memory_space<hbm>> -> memref<2x8x1000xf32, #tpu.memory_space<hbm>>
    %dma_wait3A_351 = arith.constant 0 : i32
    %dma_wait3A_352 = arith.constant 0 : i32
    %dma_wait3A_353 = tpu.memref_slice %arg2[%add3A_254, %dma_wait3A_351, %dma_wait3A_352] : memref<2048x8x1000xf32, #tpu.memory_space<hbm>> -> memref<2x8x1000xf32, #tpu.memory_space<hbm>>
    tpu.wait_dma2 semaphore(%arg14 : memref<!tpu.dma_semaphore, #tpu.memory_space<semaphore_mem>>) src(%dma_wait3A_353 : memref<2x8x1000xf32, #tpu.memory_space<hbm>>) dst(%arg9 : memref<2x8x1000xf32, #tpu.memory_space<vmem>>)
    %get3A_354 = arith.constant 176 : index
    %get3A_355 = tpu.vector_load %arg5[%get3A_354] {strides = array<i32>} : memref<512xi32, #tpu.memory_space<vmem>>, vector<16xi32>,
    %iota3A_356 = tpu.iota {dimensions = array<i32: 0>} : vector<16xi32>
    %add3A_357 = arith.constant 0 : i32
    %add3A_358 = vector.broadcast %add3A_357 : i32 to vector<16xi32>
    %add3A_359 = arith.addi %add3A_358, %iota3A_356 : vector<16xi32>
    %shift_right_logical3A_360 = arith.constant 3 : i32
    %shift_right_logical3A_361 = vector.broadcast %shift_right_logical3A_360 : i32 to vector<16xi32>
    %shift_right_logical3A_362 = arith.shrui %add3A_359, %shift_right_logical3A_361 : vector<16xi32>
    %and3A_363 = arith.constant 7 : i32
    %and3A_364 = vector.broadcast %and3A_363 : i32 to vector<16xi32>
    %and3A_365 = arith.andi %add3A_359, %and3A_364 : vector<16xi32>
    %gather3A_366 = tpu.vector_load_idx %arg9[%shift_right_logical3A_362, %and3A_365, %get3A_355] : memref<2x8x1000xf32, #tpu.memory_space<vmem>>[vector<16xi32>, vector<16xi32>, vector<16xi32>], vector<16xf32>,
    %swap3A_367 = arith.constant 176 : index
    %swap3A_368 = tpu.vector_load %arg10[%swap3A_367] {strides = array<i32>} : memref<512xf32, #tpu.memory_space<vmem>>, vector<16xf32>,
    tpu.vector_store %arg10[%swap3A_367], %gather3A_366 {strides = array<i32>} : memref<512xf32, #tpu.memory_space<vmem>>, vector<16xf32>,
    %add3A_369 = arith.constant 30 : i32
    %add3A_370 = arith.addi %mul3A_4, %add3A_369 : i32
    %dma_start3A_371 = arith.constant 0 : i32
    %dma_start3A_372 = arith.constant 0 : i32
    %dma_start3A_373 = tpu.memref_slice %arg2[%add3A_370, %dma_start3A_371, %dma_start3A_372] : memref<2048x8x1000xf32, #tpu.memory_space<hbm>> -> memref<2x8x1000xf32, #tpu.memory_space<hbm>>
    %dma_start3A_374 = arith.constant 0 : i32
    %dma_start3A_375 = arith.constant 0 : i32
    %dma_start3A_376 = tpu.memref_slice %arg2[%add3A_370, %dma_start3A_374, %dma_start3A_375] : memref<2048x8x1000xf32, #tpu.memory_space<hbm>> -> memref<2x8x1000xf32, #tpu.memory_space<hbm>>
    tpu.enqueue_dma source(%dma_start3A_376 : memref<2x8x1000xf32, #tpu.memory_space<hbm>>) target(%arg9 : memref<2x8x1000xf32, #tpu.memory_space<vmem>>) target_semaphore(%arg14 : memref<!tpu.dma_semaphore, #tpu.memory_space<semaphore_mem>>)
    %dma_wait3A_377 = arith.constant 0 : i32
    %dma_wait3A_378 = arith.constant 0 : i32
    %dma_wait3A_379 = tpu.memref_slice %arg2[%add3A_283, %dma_wait3A_377, %dma_wait3A_378] : memref<2048x8x1000xf32, #tpu.memory_space<hbm>> -> memref<2x8x1000xf32, #tpu.memory_space<hbm>>
    %dma_wait3A_380 = arith.constant 0 : i32
    %dma_wait3A_381 = arith.constant 0 : i32
    %dma_wait3A_382 = tpu.memref_slice %arg2[%add3A_283, %dma_wait3A_380, %dma_wait3A_381] : memref<2048x8x1000xf32, #tpu.memory_space<hbm>> -> memref<2x8x1000xf32, #tpu.memory_space<hbm>>
    tpu.wait_dma2 semaphore(%arg11 : memref<!tpu.dma_semaphore, #tpu.memory_space<semaphore_mem>>) src(%dma_wait3A_382 : memref<2x8x1000xf32, #tpu.memory_space<hbm>>) dst(%arg6 : memref<2x8x1000xf32, #tpu.memory_space<vmem>>)
    %get3A_383 = arith.constant 192 : index
    %get3A_384 = tpu.vector_load %arg5[%get3A_383] {strides = array<i32>} : memref<512xi32, #tpu.memory_space<vmem>>, vector<16xi32>,
    %iota3A_385 = tpu.iota {dimensions = array<i32: 0>} : vector<16xi32>
    %add3A_386 = arith.constant 0 : i32
    %add3A_387 = vector.broadcast %add3A_386 : i32 to vector<16xi32>
    %add3A_388 = arith.addi %add3A_387, %iota3A_385 : vector<16xi32>
    %shift_right_logical3A_389 = arith.constant 3 : i32
    %shift_right_logical3A_390 = vector.broadcast %shift_right_logical3A_389 : i32 to vector<16xi32>
    %shift_right_logical3A_391 = arith.shrui %add3A_388, %shift_right_logical3A_390 : vector<16xi32>
    %and3A_392 = arith.constant 7 : i32
    %and3A_393 = vector.broadcast %and3A_392 : i32 to vector<16xi32>
    %and3A_394 = arith.andi %add3A_388, %and3A_393 : vector<16xi32>
    %gather3A_395 = tpu.vector_load_idx %arg6[%shift_right_logical3A_391, %and3A_394, %get3A_384] : memref<2x8x1000xf32, #tpu.memory_space<vmem>>[vector<16xi32>, vector<16xi32>, vector<16xi32>], vector<16xf32>,
    %swap3A_396 = arith.constant 192 : index
    %swap3A_397 = tpu.vector_load %arg10[%swap3A_396] {strides = array<i32>} : memref<512xf32, #tpu.memory_space<vmem>>, vector<16xf32>,
    tpu.vector_store %arg10[%swap3A_396], %gather3A_395 {strides = array<i32>} : memref<512xf32, #tpu.memory_space<vmem>>, vector<16xf32>,
    %add3A_398 = arith.constant 32 : i32
    %add3A_399 = arith.addi %mul3A_4, %add3A_398 : i32
    %dma_start3A_400 = arith.constant 0 : i32
    %dma_start3A_401 = arith.constant 0 : i32
    %dma_start3A_402 = tpu.memref_slice %arg2[%add3A_399, %dma_start3A_400, %dma_start3A_401] : memref<2048x8x1000xf32, #tpu.memory_space<hbm>> -> memref<2x8x1000xf32, #tpu.memory_space<hbm>>
    %dma_start3A_403 = arith.constant 0 : i32
    %dma_start3A_404 = arith.constant 0 : i32
    %dma_start3A_405 = tpu.memref_slice %arg2[%add3A_399, %dma_start3A_403, %dma_start3A_404] : memref<2048x8x1000xf32, #tpu.memory_space<hbm>> -> memref<2x8x1000xf32, #tpu.memory_space<hbm>>
    tpu.enqueue_dma source(%dma_start3A_405 : memref<2x8x1000xf32, #tpu.memory_space<hbm>>) target(%arg6 : memref<2x8x1000xf32, #tpu.memory_space<vmem>>) target_semaphore(%arg11 : memref<!tpu.dma_semaphore, #tpu.memory_space<semaphore_mem>>)
    %dma_wait3A_406 = arith.constant 0 : i32
    %dma_wait3A_407 = arith.constant 0 : i32
    %dma_wait3A_408 = tpu.memref_slice %arg2[%add3A_312, %dma_wait3A_406, %dma_wait3A_407] : memref<2048x8x1000xf32, #tpu.memory_space<hbm>> -> memref<2x8x1000xf32, #tpu.memory_space<hbm>>
    %dma_wait3A_409 = arith.constant 0 : i32
    %dma_wait3A_410 = arith.constant 0 : i32
    %dma_wait3A_411 = tpu.memref_slice %arg2[%add3A_312, %dma_wait3A_409, %dma_wait3A_410] : memref<2048x8x1000xf32, #tpu.memory_space<hbm>> -> memref<2x8x1000xf32, #tpu.memory_space<hbm>>
    tpu.wait_dma2 semaphore(%arg12 : memref<!tpu.dma_semaphore, #tpu.memory_space<semaphore_mem>>) src(%dma_wait3A_411 : memref<2x8x1000xf32, #tpu.memory_space<hbm>>) dst(%arg7 : memref<2x8x1000xf32, #tpu.memory_space<vmem>>)
    %get3A_412 = arith.constant 208 : index
    %get3A_413 = tpu.vector_load %arg5[%get3A_412] {strides = array<i32>} : memref<512xi32, #tpu.memory_space<vmem>>, vector<16xi32>,
    %iota3A_414 = tpu.iota {dimensions = array<i32: 0>} : vector<16xi32>
    %add3A_415 = arith.constant 0 : i32
    %add3A_416 = vector.broadcast %add3A_415 : i32 to vector<16xi32>
    %add3A_417 = arith.addi %add3A_416, %iota3A_414 : vector<16xi32>
    %shift_right_logical3A_418 = arith.constant 3 : i32
    %shift_right_logical3A_419 = vector.broadcast %shift_right_logical3A_418 : i32 to vector<16xi32>
    %shift_right_logical3A_420 = arith.shrui %add3A_417, %shift_right_logical3A_419 : vector<16xi32>
    %and3A_421 = arith.constant 7 : i32
    %and3A_422 = vector.broadcast %and3A_421 : i32 to vector<16xi32>
    %and3A_423 = arith.andi %add3A_417, %and3A_422 : vector<16xi32>
    %gather3A_424 = tpu.vector_load_idx %arg7[%shift_right_logical3A_420, %and3A_423, %get3A_413] : memref<2x8x1000xf32, #tpu.memory_space<vmem>>[vector<16xi32>, vector<16xi32>, vector<16xi32>], vector<16xf32>,
    %swap3A_425 = arith.constant 208 : index
    %swap3A_426 = tpu.vector_load %arg10[%swap3A_425] {strides = array<i32>} : memref<512xf32, #tpu.memory_space<vmem>>, vector<16xf32>,
    tpu.vector_store %arg10[%swap3A_425], %gather3A_424 {strides = array<i32>} : memref<512xf32, #tpu.memory_space<vmem>>, vector<16xf32>,
    %add3A_427 = arith.constant 34 : i32
    %add3A_428 = arith.addi %mul3A_4, %add3A_427 : i32
    %dma_start3A_429 = arith.constant 0 : i32
    %dma_start3A_430 = arith.constant 0 : i32
    %dma_start3A_431 = tpu.memref_slice %arg2[%add3A_428, %dma_start3A_429, %dma_start3A_430] : memref<2048x8x1000xf32, #tpu.memory_space<hbm>> -> memref<2x8x1000xf32, #tpu.memory_space<hbm>>
    %dma_start3A_432 = arith.constant 0 : i32
    %dma_start3A_433 = arith.constant 0 : i32
    %dma_start3A_434 = tpu.memref_slice %arg2[%add3A_428, %dma_start3A_432, %dma_start3A_433] : memref<2048x8x1000xf32, #tpu.memory_space<hbm>> -> memref<2x8x1000xf32, #tpu.memory_space<hbm>>
    tpu.enqueue_dma source(%dma_start3A_434 : memref<2x8x1000xf32, #tpu.memory_space<hbm>>) target(%arg7 : memref<2x8x1000xf32, #tpu.memory_space<vmem>>) target_semaphore(%arg12 : memref<!tpu.dma_semaphore, #tpu.memory_space<semaphore_mem>>)
    %dma_wait3A_435 = arith.constant 0 : i32
    %dma_wait3A_436 = arith.constant 0 : i32
    %dma_wait3A_437 = tpu.memref_slice %arg2[%add3A_341, %dma_wait3A_435, %dma_wait3A_436] : memref<2048x8x1000xf32, #tpu.memory_space<hbm>> -> memref<2x8x1000xf32, #tpu.memory_space<hbm>>
    %dma_wait3A_438 = arith.constant 0 : i32
    %dma_wait3A_439 = arith.constant 0 : i32
    %dma_wait3A_440 = tpu.memref_slice %arg2[%add3A_341, %dma_wait3A_438, %dma_wait3A_439] : memref<2048x8x1000xf32, #tpu.memory_space<hbm>> -> memref<2x8x1000xf32, #tpu.memory_space<hbm>>
    tpu.wait_dma2 semaphore(%arg13 : memref<!tpu.dma_semaphore, #tpu.memory_space<semaphore_mem>>) src(%dma_wait3A_440 : memref<2x8x1000xf32, #tpu.memory_space<hbm>>) dst(%arg8 : memref<2x8x1000xf32, #tpu.memory_space<vmem>>)
    %get3A_441 = arith.constant 224 : index
    %get3A_442 = tpu.vector_load %arg5[%get3A_441] {strides = array<i32>} : memref<512xi32, #tpu.memory_space<vmem>>, vector<16xi32>,
    %iota3A_443 = tpu.iota {dimensions = array<i32: 0>} : vector<16xi32>
    %add3A_444 = arith.constant 0 : i32
    %add3A_445 = vector.broadcast %add3A_444 : i32 to vector<16xi32>
    %add3A_446 = arith.addi %add3A_445, %iota3A_443 : vector<16xi32>
    %shift_right_logical3A_447 = arith.constant 3 : i32
    %shift_right_logical3A_448 = vector.broadcast %shift_right_logical3A_447 : i32 to vector<16xi32>
    %shift_right_logical3A_449 = arith.shrui %add3A_446, %shift_right_logical3A_448 : vector<16xi32>
    %and3A_450 = arith.constant 7 : i32
    %and3A_451 = vector.broadcast %and3A_450 : i32 to vector<16xi32>
    %and3A_452 = arith.andi %add3A_446, %and3A_451 : vector<16xi32>
    %gather3A_453 = tpu.vector_load_idx %arg8[%shift_right_logical3A_449, %and3A_452, %get3A_442] : memref<2x8x1000xf32, #tpu.memory_space<vmem>>[vector<16xi32>, vector<16xi32>, vector<16xi32>], vector<16xf32>,
    %swap3A_454 = arith.constant 224 : index
    %swap3A_455 = tpu.vector_load %arg10[%swap3A_454] {strides = array<i32>} : memref<512xf32, #tpu.memory_space<vmem>>, vector<16xf32>,
    tpu.vector_store %arg10[%swap3A_454], %gather3A_453 {strides = array<i32>} : memref<512xf32, #tpu.memory_space<vmem>>, vector<16xf32>,
    %add3A_456 = arith.constant 36 : i32
    %add3A_457 = arith.addi %mul3A_4, %add3A_456 : i32
    %dma_start3A_458 = arith.constant 0 : i32
    %dma_start3A_459 = arith.constant 0 : i32
    %dma_start3A_460 = tpu.memref_slice %arg2[%add3A_457, %dma_start3A_458, %dma_start3A_459] : memref<2048x8x1000xf32, #tpu.memory_space<hbm>> -> memref<2x8x1000xf32, #tpu.memory_space<hbm>>
    %dma_start3A_461 = arith.constant 0 : i32
    %dma_start3A_462 = arith.constant 0 : i32
    %dma_start3A_463 = tpu.memref_slice %arg2[%add3A_457, %dma_start3A_461, %dma_start3A_462] : memref<2048x8x1000xf32, #tpu.memory_space<hbm>> -> memref<2x8x1000xf32, #tpu.memory_space<hbm>>
    tpu.enqueue_dma source(%dma_start3A_463 : memref<2x8x1000xf32, #tpu.memory_space<hbm>>) target(%arg8 : memref<2x8x1000xf32, #tpu.memory_space<vmem>>) target_semaphore(%arg13 : memref<!tpu.dma_semaphore, #tpu.memory_space<semaphore_mem>>)
    %dma_wait3A_464 = arith.constant 0 : i32
    %dma_wait3A_465 = arith.constant 0 : i32
    %dma_wait3A_466 = tpu.memref_slice %arg2[%add3A_370, %dma_wait3A_464, %dma_wait3A_465] : memref<2048x8x1000xf32, #tpu.memory_space<hbm>> -> memref<2x8x1000xf32, #tpu.memory_space<hbm>>
    %dma_wait3A_467 = arith.constant 0 : i32
    %dma_wait3A_468 = arith.constant 0 : i32
    %dma_wait3A_469 = tpu.memref_slice %arg2[%add3A_370, %dma_wait3A_467, %dma_wait3A_468] : memref<2048x8x1000xf32, #tpu.memory_space<hbm>> -> memref<2x8x1000xf32, #tpu.memory_space<hbm>>
    tpu.wait_dma2 semaphore(%arg14 : memref<!tpu.dma_semaphore, #tpu.memory_space<semaphore_mem>>) src(%dma_wait3A_469 : memref<2x8x1000xf32, #tpu.memory_space<hbm>>) dst(%arg9 : memref<2x8x1000xf32, #tpu.memory_space<vmem>>)
    %get3A_470 = arith.constant 240 : index
    %get3A_471 = tpu.vector_load %arg5[%get3A_470] {strides = array<i32>} : memref<512xi32, #tpu.memory_space<vmem>>, vector<16xi32>,
    %iota3A_472 = tpu.iota {dimensions = array<i32: 0>} : vector<16xi32>
    %add3A_473 = arith.constant 0 : i32
    %add3A_474 = vector.broadcast %add3A_473 : i32 to vector<16xi32>
    %add3A_475 = arith.addi %add3A_474, %iota3A_472 : vector<16xi32>
    %shift_right_logical3A_476 = arith.constant 3 : i32
    %shift_right_logical3A_477 = vector.broadcast %shift_right_logical3A_476 : i32 to vector<16xi32>
    %shift_right_logical3A_478 = arith.shrui %add3A_475, %shift_right_logical3A_477 : vector<16xi32>
    %and3A_479 = arith.constant 7 : i32
    %and3A_480 = vector.broadcast %and3A_479 : i32 to vector<16xi32>
    %and3A_481 = arith.andi %add3A_475, %and3A_480 : vector<16xi32>
    %gather3A_482 = tpu.vector_load_idx %arg9[%shift_right_logical3A_478, %and3A_481, %get3A_471] : memref<2x8x1000xf32, #tpu.memory_space<vmem>>[vector<16xi32>, vector<16xi32>, vector<16xi32>], vector<16xf32>,
    %swap3A_483 = arith.constant 240 : index
    %swap3A_484 = tpu.vector_load %arg10[%swap3A_483] {strides = array<i32>} : memref<512xf32, #tpu.memory_space<vmem>>, vector<16xf32>,
    tpu.vector_store %arg10[%swap3A_483], %gather3A_482 {strides = array<i32>} : memref<512xf32, #tpu.memory_space<vmem>>, vector<16xf32>,
    %add3A_485 = arith.constant 38 : i32
    %add3A_486 = arith.addi %mul3A_4, %add3A_485 : i32
    %dma_start3A_487 = arith.constant 0 : i32
    %dma_start3A_488 = arith.constant 0 : i32
    %dma_start3A_489 = tpu.memref_slice %arg2[%add3A_486, %dma_start3A_487, %dma_start3A_488] : memref<2048x8x1000xf32, #tpu.memory_space<hbm>> -> memref<2x8x1000xf32, #tpu.memory_space<hbm>>
    %dma_start3A_490 = arith.constant 0 : i32
    %dma_start3A_491 = arith.constant 0 : i32
    %dma_start3A_492 = tpu.memref_slice %arg2[%add3A_486, %dma_start3A_490, %dma_start3A_491] : memref<2048x8x1000xf32, #tpu.memory_space<hbm>> -> memref<2x8x1000xf32, #tpu.memory_space<hbm>>
    tpu.enqueue_dma source(%dma_start3A_492 : memref<2x8x1000xf32, #tpu.memory_space<hbm>>) target(%arg9 : memref<2x8x1000xf32, #tpu.memory_space<vmem>>) target_semaphore(%arg14 : memref<!tpu.dma_semaphore, #tpu.memory_space<semaphore_mem>>)
    %dma_wait3A_493 = arith.constant 0 : i32
    %dma_wait3A_494 = arith.constant 0 : i32
    %dma_wait3A_495 = tpu.memref_slice %arg2[%add3A_399, %dma_wait3A_493, %dma_wait3A_494] : memref<2048x8x1000xf32, #tpu.memory_space<hbm>> -> memref<2x8x1000xf32, #tpu.memory_space<hbm>>
    %dma_wait3A_496 = arith.constant 0 : i32
    %dma_wait3A_497 = arith.constant 0 : i32
    %dma_wait3A_498 = tpu.memref_slice %arg2[%add3A_399, %dma_wait3A_496, %dma_wait3A_497] : memref<2048x8x1000xf32, #tpu.memory_space<hbm>> -> memref<2x8x1000xf32, #tpu.memory_space<hbm>>
    tpu.wait_dma2 semaphore(%arg11 : memref<!tpu.dma_semaphore, #tpu.memory_space<semaphore_mem>>) src(%dma_wait3A_498 : memref<2x8x1000xf32, #tpu.memory_space<hbm>>) dst(%arg6 : memref<2x8x1000xf32, #tpu.memory_space<vmem>>)
    %get3A_499 = arith.constant 256 : index
    %get3A_500 = tpu.vector_load %arg5[%get3A_499] {strides = array<i32>} : memref<512xi32, #tpu.memory_space<vmem>>, vector<16xi32>,
    %iota3A_501 = tpu.iota {dimensions = array<i32: 0>} : vector<16xi32>
    %add3A_502 = arith.constant 0 : i32
    %add3A_503 = vector.broadcast %add3A_502 : i32 to vector<16xi32>
    %add3A_504 = arith.addi %add3A_503, %iota3A_501 : vector<16xi32>
    %shift_right_logical3A_505 = arith.constant 3 : i32
    %shift_right_logical3A_506 = vector.broadcast %shift_right_logical3A_505 : i32 to vector<16xi32>
    %shift_right_logical3A_507 = arith.shrui %add3A_504, %shift_right_logical3A_506 : vector<16xi32>
    %and3A_508 = arith.constant 7 : i32
    %and3A_509 = vector.broadcast %and3A_508 : i32 to vector<16xi32>
    %and3A_510 = arith.andi %add3A_504, %and3A_509 : vector<16xi32>
    %gather3A_511 = tpu.vector_load_idx %arg6[%shift_right_logical3A_507, %and3A_510, %get3A_500] : memref<2x8x1000xf32, #tpu.memory_space<vmem>>[vector<16xi32>, vector<16xi32>, vector<16xi32>], vector<16xf32>,
    %swap3A_512 = arith.constant 256 : index
    %swap3A_513 = tpu.vector_load %arg10[%swap3A_512] {strides = array<i32>} : memref<512xf32, #tpu.memory_space<vmem>>, vector<16xf32>,
    tpu.vector_store %arg10[%swap3A_512], %gather3A_511 {strides = array<i32>} : memref<512xf32, #tpu.memory_space<vmem>>, vector<16xf32>,
    %add3A_514 = arith.constant 40 : i32
    %add3A_515 = arith.addi %mul3A_4, %add3A_514 : i32
    %dma_start3A_516 = arith.constant 0 : i32
    %dma_start3A_517 = arith.constant 0 : i32
    %dma_start3A_518 = tpu.memref_slice %arg2[%add3A_515, %dma_start3A_516, %dma_start3A_517] : memref<2048x8x1000xf32, #tpu.memory_space<hbm>> -> memref<2x8x1000xf32, #tpu.memory_space<hbm>>
    %dma_start3A_519 = arith.constant 0 : i32
    %dma_start3A_520 = arith.constant 0 : i32
    %dma_start3A_521 = tpu.memref_slice %arg2[%add3A_515, %dma_start3A_519, %dma_start3A_520] : memref<2048x8x1000xf32, #tpu.memory_space<hbm>> -> memref<2x8x1000xf32, #tpu.memory_space<hbm>>
    tpu.enqueue_dma source(%dma_start3A_521 : memref<2x8x1000xf32, #tpu.memory_space<hbm>>) target(%arg6 : memref<2x8x1000xf32, #tpu.memory_space<vmem>>) target_semaphore(%arg11 : memref<!tpu.dma_semaphore, #tpu.memory_space<semaphore_mem>>)
    %dma_wait3A_522 = arith.constant 0 : i32
    %dma_wait3A_523 = arith.constant 0 : i32
    %dma_wait3A_524 = tpu.memref_slice %arg2[%add3A_428, %dma_wait3A_522, %dma_wait3A_523] : memref<2048x8x1000xf32, #tpu.memory_space<hbm>> -> memref<2x8x1000xf32, #tpu.memory_space<hbm>>
    %dma_wait3A_525 = arith.constant 0 : i32
    %dma_wait3A_526 = arith.constant 0 : i32
    %dma_wait3A_527 = tpu.memref_slice %arg2[%add3A_428, %dma_wait3A_525, %dma_wait3A_526] : memref<2048x8x1000xf32, #tpu.memory_space<hbm>> -> memref<2x8x1000xf32, #tpu.memory_space<hbm>>
    tpu.wait_dma2 semaphore(%arg12 : memref<!tpu.dma_semaphore, #tpu.memory_space<semaphore_mem>>) src(%dma_wait3A_527 : memref<2x8x1000xf32, #tpu.memory_space<hbm>>) dst(%arg7 : memref<2x8x1000xf32, #tpu.memory_space<vmem>>)
    %get3A_528 = arith.constant 272 : index
    %get3A_529 = tpu.vector_load %arg5[%get3A_528] {strides = array<i32>} : memref<512xi32, #tpu.memory_space<vmem>>, vector<16xi32>,
    %iota3A_530 = tpu.iota {dimensions = array<i32: 0>} : vector<16xi32>
    %add3A_531 = arith.constant 0 : i32
    %add3A_532 = vector.broadcast %add3A_531 : i32 to vector<16xi32>
    %add3A_533 = arith.addi %add3A_532, %iota3A_530 : vector<16xi32>
    %shift_right_logical3A_534 = arith.constant 3 : i32
    %shift_right_logical3A_535 = vector.broadcast %shift_right_logical3A_534 : i32 to vector<16xi32>
    %shift_right_logical3A_536 = arith.shrui %add3A_533, %shift_right_logical3A_535 : vector<16xi32>
    %and3A_537 = arith.constant 7 : i32
    %and3A_538 = vector.broadcast %and3A_537 : i32 to vector<16xi32>
    %and3A_539 = arith.andi %add3A_533, %and3A_538 : vector<16xi32>
    %gather3A_540 = tpu.vector_load_idx %arg7[%shift_right_logical3A_536, %and3A_539, %get3A_529] : memref<2x8x1000xf32, #tpu.memory_space<vmem>>[vector<16xi32>, vector<16xi32>, vector<16xi32>], vector<16xf32>,
    %swap3A_541 = arith.constant 272 : index
    %swap3A_542 = tpu.vector_load %arg10[%swap3A_541] {strides = array<i32>} : memref<512xf32, #tpu.memory_space<vmem>>, vector<16xf32>,
    tpu.vector_store %arg10[%swap3A_541], %gather3A_540 {strides = array<i32>} : memref<512xf32, #tpu.memory_space<vmem>>, vector<16xf32>,
    %add3A_543 = arith.constant 42 : i32
    %add3A_544 = arith.addi %mul3A_4, %add3A_543 : i32
    %dma_start3A_545 = arith.constant 0 : i32
    %dma_start3A_546 = arith.constant 0 : i32
    %dma_start3A_547 = tpu.memref_slice %arg2[%add3A_544, %dma_start3A_545, %dma_start3A_546] : memref<2048x8x1000xf32, #tpu.memory_space<hbm>> -> memref<2x8x1000xf32, #tpu.memory_space<hbm>>
    %dma_start3A_548 = arith.constant 0 : i32
    %dma_start3A_549 = arith.constant 0 : i32
    %dma_start3A_550 = tpu.memref_slice %arg2[%add3A_544, %dma_start3A_548, %dma_start3A_549] : memref<2048x8x1000xf32, #tpu.memory_space<hbm>> -> memref<2x8x1000xf32, #tpu.memory_space<hbm>>
    tpu.enqueue_dma source(%dma_start3A_550 : memref<2x8x1000xf32, #tpu.memory_space<hbm>>) target(%arg7 : memref<2x8x1000xf32, #tpu.memory_space<vmem>>) target_semaphore(%arg12 : memref<!tpu.dma_semaphore, #tpu.memory_space<semaphore_mem>>)
    %dma_wait3A_551 = arith.constant 0 : i32
    %dma_wait3A_552 = arith.constant 0 : i32
    %dma_wait3A_553 = tpu.memref_slice %arg2[%add3A_457, %dma_wait3A_551, %dma_wait3A_552] : memref<2048x8x1000xf32, #tpu.memory_space<hbm>> -> memref<2x8x1000xf32, #tpu.memory_space<hbm>>
    %dma_wait3A_554 = arith.constant 0 : i32
    %dma_wait3A_555 = arith.constant 0 : i32
    %dma_wait3A_556 = tpu.memref_slice %arg2[%add3A_457, %dma_wait3A_554, %dma_wait3A_555] : memref<2048x8x1000xf32, #tpu.memory_space<hbm>> -> memref<2x8x1000xf32, #tpu.memory_space<hbm>>
    tpu.wait_dma2 semaphore(%arg13 : memref<!tpu.dma_semaphore, #tpu.memory_space<semaphore_mem>>) src(%dma_wait3A_556 : memref<2x8x1000xf32, #tpu.memory_space<hbm>>) dst(%arg8 : memref<2x8x1000xf32, #tpu.memory_space<vmem>>)
    %get3A_557 = arith.constant 288 : index
    %get3A_558 = tpu.vector_load %arg5[%get3A_557] {strides = array<i32>} : memref<512xi32, #tpu.memory_space<vmem>>, vector<16xi32>,
    %iota3A_559 = tpu.iota {dimensions = array<i32: 0>} : vector<16xi32>
    %add3A_560 = arith.constant 0 : i32
    %add3A_561 = vector.broadcast %add3A_560 : i32 to vector<16xi32>
    %add3A_562 = arith.addi %add3A_561, %iota3A_559 : vector<16xi32>
    %shift_right_logical3A_563 = arith.constant 3 : i32
    %shift_right_logical3A_564 = vector.broadcast %shift_right_logical3A_563 : i32 to vector<16xi32>
    %shift_right_logical3A_565 = arith.shrui %add3A_562, %shift_right_logical3A_564 : vector<16xi32>
    %and3A_566 = arith.constant 7 : i32
    %and3A_567 = vector.broadcast %and3A_566 : i32 to vector<16xi32>
    %and3A_568 = arith.andi %add3A_562, %and3A_567 : vector<16xi32>
    %gather3A_569 = tpu.vector_load_idx %arg8[%shift_right_logical3A_565, %and3A_568, %get3A_558] : memref<2x8x1000xf32, #tpu.memory_space<vmem>>[vector<16xi32>, vector<16xi32>, vector<16xi32>], vector<16xf32>,
    %swap3A_570 = arith.constant 288 : index
    %swap3A_571 = tpu.vector_load %arg10[%swap3A_570] {strides = array<i32>} : memref<512xf32, #tpu.memory_space<vmem>>, vector<16xf32>,
    tpu.vector_store %arg10[%swap3A_570], %gather3A_569 {strides = array<i32>} : memref<512xf32, #tpu.memory_space<vmem>>, vector<16xf32>,
    %add3A_572 = arith.constant 44 : i32
    %add3A_573 = arith.addi %mul3A_4, %add3A_572 : i32
    %dma_start3A_574 = arith.constant 0 : i32
    %dma_start3A_575 = arith.constant 0 : i32
    %dma_start3A_576 = tpu.memref_slice %arg2[%add3A_573, %dma_start3A_574, %dma_start3A_575] : memref<2048x8x1000xf32, #tpu.memory_space<hbm>> -> memref<2x8x1000xf32, #tpu.memory_space<hbm>>
    %dma_start3A_577 = arith.constant 0 : i32
    %dma_start3A_578 = arith.constant 0 : i32
    %dma_start3A_579 = tpu.memref_slice %arg2[%add3A_573, %dma_start3A_577, %dma_start3A_578] : memref<2048x8x1000xf32, #tpu.memory_space<hbm>> -> memref<2x8x1000xf32, #tpu.memory_space<hbm>>
    tpu.enqueue_dma source(%dma_start3A_579 : memref<2x8x1000xf32, #tpu.memory_space<hbm>>) target(%arg8 : memref<2x8x1000xf32, #tpu.memory_space<vmem>>) target_semaphore(%arg13 : memref<!tpu.dma_semaphore, #tpu.memory_space<semaphore_mem>>)
    %dma_wait3A_580 = arith.constant 0 : i32
    %dma_wait3A_581 = arith.constant 0 : i32
    %dma_wait3A_582 = tpu.memref_slice %arg2[%add3A_486, %dma_wait3A_580, %dma_wait3A_581] : memref<2048x8x1000xf32, #tpu.memory_space<hbm>> -> memref<2x8x1000xf32, #tpu.memory_space<hbm>>
    %dma_wait3A_583 = arith.constant 0 : i32
    %dma_wait3A_584 = arith.constant 0 : i32
    %dma_wait3A_585 = tpu.memref_slice %arg2[%add3A_486, %dma_wait3A_583, %dma_wait3A_584] : memref<2048x8x1000xf32, #tpu.memory_space<hbm>> -> memref<2x8x1000xf32, #tpu.memory_space<hbm>>
    tpu.wait_dma2 semaphore(%arg14 : memref<!tpu.dma_semaphore, #tpu.memory_space<semaphore_mem>>) src(%dma_wait3A_585 : memref<2x8x1000xf32, #tpu.memory_space<hbm>>) dst(%arg9 : memref<2x8x1000xf32, #tpu.memory_space<vmem>>)
    %get3A_586 = arith.constant 304 : index
    %get3A_587 = tpu.vector_load %arg5[%get3A_586] {strides = array<i32>} : memref<512xi32, #tpu.memory_space<vmem>>, vector<16xi32>,
    %iota3A_588 = tpu.iota {dimensions = array<i32: 0>} : vector<16xi32>
    %add3A_589 = arith.constant 0 : i32
    %add3A_590 = vector.broadcast %add3A_589 : i32 to vector<16xi32>
    %add3A_591 = arith.addi %add3A_590, %iota3A_588 : vector<16xi32>
    %shift_right_logical3A_592 = arith.constant 3 : i32
    %shift_right_logical3A_593 = vector.broadcast %shift_right_logical3A_592 : i32 to vector<16xi32>
    %shift_right_logical3A_594 = arith.shrui %add3A_591, %shift_right_logical3A_593 : vector<16xi32>
    %and3A_595 = arith.constant 7 : i32
    %and3A_596 = vector.broadcast %and3A_595 : i32 to vector<16xi32>
    %and3A_597 = arith.andi %add3A_591, %and3A_596 : vector<16xi32>
    %gather3A_598 = tpu.vector_load_idx %arg9[%shift_right_logical3A_594, %and3A_597, %get3A_587] : memref<2x8x1000xf32, #tpu.memory_space<vmem>>[vector<16xi32>, vector<16xi32>, vector<16xi32>], vector<16xf32>,
    %swap3A_599 = arith.constant 304 : index
    %swap3A_600 = tpu.vector_load %arg10[%swap3A_599] {strides = array<i32>} : memref<512xf32, #tpu.memory_space<vmem>>, vector<16xf32>,
    tpu.vector_store %arg10[%swap3A_599], %gather3A_598 {strides = array<i32>} : memref<512xf32, #tpu.memory_space<vmem>>, vector<16xf32>,
    %add3A_601 = arith.constant 46 : i32
    %add3A_602 = arith.addi %mul3A_4, %add3A_601 : i32
    %dma_start3A_603 = arith.constant 0 : i32
    %dma_start3A_604 = arith.constant 0 : i32
    %dma_start3A_605 = tpu.memref_slice %arg2[%add3A_602, %dma_start3A_603, %dma_start3A_604] : memref<2048x8x1000xf32, #tpu.memory_space<hbm>> -> memref<2x8x1000xf32, #tpu.memory_space<hbm>>
    %dma_start3A_606 = arith.constant 0 : i32
    %dma_start3A_607 = arith.constant 0 : i32
    %dma_start3A_608 = tpu.memref_slice %arg2[%add3A_602, %dma_start3A_606, %dma_start3A_607] : memref<2048x8x1000xf32, #tpu.memory_space<hbm>> -> memref<2x8x1000xf32, #tpu.memory_space<hbm>>
    tpu.enqueue_dma source(%dma_start3A_608 : memref<2x8x1000xf32, #tpu.memory_space<hbm>>) target(%arg9 : memref<2x8x1000xf32, #tpu.memory_space<vmem>>) target_semaphore(%arg14 : memref<!tpu.dma_semaphore, #tpu.memory_space<semaphore_mem>>)
    %dma_wait3A_609 = arith.constant 0 : i32
    %dma_wait3A_610 = arith.constant 0 : i32
    %dma_wait3A_611 = tpu.memref_slice %arg2[%add3A_515, %dma_wait3A_609, %dma_wait3A_610] : memref<2048x8x1000xf32, #tpu.memory_space<hbm>> -> memref<2x8x1000xf32, #tpu.memory_space<hbm>>
    %dma_wait3A_612 = arith.constant 0 : i32
    %dma_wait3A_613 = arith.constant 0 : i32
    %dma_wait3A_614 = tpu.memref_slice %arg2[%add3A_515, %dma_wait3A_612, %dma_wait3A_613] : memref<2048x8x1000xf32, #tpu.memory_space<hbm>> -> memref<2x8x1000xf32, #tpu.memory_space<hbm>>
    tpu.wait_dma2 semaphore(%arg11 : memref<!tpu.dma_semaphore, #tpu.memory_space<semaphore_mem>>) src(%dma_wait3A_614 : memref<2x8x1000xf32, #tpu.memory_space<hbm>>) dst(%arg6 : memref<2x8x1000xf32, #tpu.memory_space<vmem>>)
    %get3A_615 = arith.constant 320 : index
    %get3A_616 = tpu.vector_load %arg5[%get3A_615] {strides = array<i32>} : memref<512xi32, #tpu.memory_space<vmem>>, vector<16xi32>,
    %iota3A_617 = tpu.iota {dimensions = array<i32: 0>} : vector<16xi32>
    %add3A_618 = arith.constant 0 : i32
    %add3A_619 = vector.broadcast %add3A_618 : i32 to vector<16xi32>
    %add3A_620 = arith.addi %add3A_619, %iota3A_617 : vector<16xi32>
    %shift_right_logical3A_621 = arith.constant 3 : i32
    %shift_right_logical3A_622 = vector.broadcast %shift_right_logical3A_621 : i32 to vector<16xi32>
    %shift_right_logical3A_623 = arith.shrui %add3A_620, %shift_right_logical3A_622 : vector<16xi32>
    %and3A_624 = arith.constant 7 : i32
    %and3A_625 = vector.broadcast %and3A_624 : i32 to vector<16xi32>
    %and3A_626 = arith.andi %add3A_620, %and3A_625 : vector<16xi32>
    %gather3A_627 = tpu.vector_load_idx %arg6[%shift_right_logical3A_623, %and3A_626, %get3A_616] : memref<2x8x1000xf32, #tpu.memory_space<vmem>>[vector<16xi32>, vector<16xi32>, vector<16xi32>], vector<16xf32>,
    %swap3A_628 = arith.constant 320 : index
    %swap3A_629 = tpu.vector_load %arg10[%swap3A_628] {strides = array<i32>} : memref<512xf32, #tpu.memory_space<vmem>>, vector<16xf32>,
    tpu.vector_store %arg10[%swap3A_628], %gather3A_627 {strides = array<i32>} : memref<512xf32, #tpu.memory_space<vmem>>, vector<16xf32>,
    %add3A_630 = arith.constant 48 : i32
    %add3A_631 = arith.addi %mul3A_4, %add3A_630 : i32
    %dma_start3A_632 = arith.constant 0 : i32
    %dma_start3A_633 = arith.constant 0 : i32
    %dma_start3A_634 = tpu.memref_slice %arg2[%add3A_631, %dma_start3A_632, %dma_start3A_633] : memref<2048x8x1000xf32, #tpu.memory_space<hbm>> -> memref<2x8x1000xf32, #tpu.memory_space<hbm>>
    %dma_start3A_635 = arith.constant 0 : i32
    %dma_start3A_636 = arith.constant 0 : i32
    %dma_start3A_637 = tpu.memref_slice %arg2[%add3A_631, %dma_start3A_635, %dma_start3A_636] : memref<2048x8x1000xf32, #tpu.memory_space<hbm>> -> memref<2x8x1000xf32, #tpu.memory_space<hbm>>
    tpu.enqueue_dma source(%dma_start3A_637 : memref<2x8x1000xf32, #tpu.memory_space<hbm>>) target(%arg6 : memref<2x8x1000xf32, #tpu.memory_space<vmem>>) target_semaphore(%arg11 : memref<!tpu.dma_semaphore, #tpu.memory_space<semaphore_mem>>)
    %dma_wait3A_638 = arith.constant 0 : i32
    %dma_wait3A_639 = arith.constant 0 : i32
    %dma_wait3A_640 = tpu.memref_slice %arg2[%add3A_544, %dma_wait3A_638, %dma_wait3A_639] : memref<2048x8x1000xf32, #tpu.memory_space<hbm>> -> memref<2x8x1000xf32, #tpu.memory_space<hbm>>
    %dma_wait3A_641 = arith.constant 0 : i32
    %dma_wait3A_642 = arith.constant 0 : i32
    %dma_wait3A_643 = tpu.memref_slice %arg2[%add3A_544, %dma_wait3A_641, %dma_wait3A_642] : memref<2048x8x1000xf32, #tpu.memory_space<hbm>> -> memref<2x8x1000xf32, #tpu.memory_space<hbm>>
    tpu.wait_dma2 semaphore(%arg12 : memref<!tpu.dma_semaphore, #tpu.memory_space<semaphore_mem>>) src(%dma_wait3A_643 : memref<2x8x1000xf32, #tpu.memory_space<hbm>>) dst(%arg7 : memref<2x8x1000xf32, #tpu.memory_space<vmem>>)
    %get3A_644 = arith.constant 336 : index
    %get3A_645 = tpu.vector_load %arg5[%get3A_644] {strides = array<i32>} : memref<512xi32, #tpu.memory_space<vmem>>, vector<16xi32>,
    %iota3A_646 = tpu.iota {dimensions = array<i32: 0>} : vector<16xi32>
    %add3A_647 = arith.constant 0 : i32
    %add3A_648 = vector.broadcast %add3A_647 : i32 to vector<16xi32>
    %add3A_649 = arith.addi %add3A_648, %iota3A_646 : vector<16xi32>
    %shift_right_logical3A_650 = arith.constant 3 : i32
    %shift_right_logical3A_651 = vector.broadcast %shift_right_logical3A_650 : i32 to vector<16xi32>
    %shift_right_logical3A_652 = arith.shrui %add3A_649, %shift_right_logical3A_651 : vector<16xi32>
    %and3A_653 = arith.constant 7 : i32
    %and3A_654 = vector.broadcast %and3A_653 : i32 to vector<16xi32>
    %and3A_655 = arith.andi %add3A_649, %and3A_654 : vector<16xi32>
    %gather3A_656 = tpu.vector_load_idx %arg7[%shift_right_logical3A_652, %and3A_655, %get3A_645] : memref<2x8x1000xf32, #tpu.memory_space<vmem>>[vector<16xi32>, vector<16xi32>, vector<16xi32>], vector<16xf32>,
    %swap3A_657 = arith.constant 336 : index
    %swap3A_658 = tpu.vector_load %arg10[%swap3A_657] {strides = array<i32>} : memref<512xf32, #tpu.memory_space<vmem>>, vector<16xf32>,
    tpu.vector_store %arg10[%swap3A_657], %gather3A_656 {strides = array<i32>} : memref<512xf32, #tpu.memory_space<vmem>>, vector<16xf32>,
    %add3A_659 = arith.constant 50 : i32
    %add3A_660 = arith.addi %mul3A_4, %add3A_659 : i32
    %dma_start3A_661 = arith.constant 0 : i32
    %dma_start3A_662 = arith.constant 0 : i32
    %dma_start3A_663 = tpu.memref_slice %arg2[%add3A_660, %dma_start3A_661, %dma_start3A_662] : memref<2048x8x1000xf32, #tpu.memory_space<hbm>> -> memref<2x8x1000xf32, #tpu.memory_space<hbm>>
    %dma_start3A_664 = arith.constant 0 : i32
    %dma_start3A_665 = arith.constant 0 : i32
    %dma_start3A_666 = tpu.memref_slice %arg2[%add3A_660, %dma_start3A_664, %dma_start3A_665] : memref<2048x8x1000xf32, #tpu.memory_space<hbm>> -> memref<2x8x1000xf32, #tpu.memory_space<hbm>>
    tpu.enqueue_dma source(%dma_start3A_666 : memref<2x8x1000xf32, #tpu.memory_space<hbm>>) target(%arg7 : memref<2x8x1000xf32, #tpu.memory_space<vmem>>) target_semaphore(%arg12 : memref<!tpu.dma_semaphore, #tpu.memory_space<semaphore_mem>>)
    %dma_wait3A_667 = arith.constant 0 : i32
    %dma_wait3A_668 = arith.constant 0 : i32
    %dma_wait3A_669 = tpu.memref_slice %arg2[%add3A_573, %dma_wait3A_667, %dma_wait3A_668] : memref<2048x8x1000xf32, #tpu.memory_space<hbm>> -> memref<2x8x1000xf32, #tpu.memory_space<hbm>>
    %dma_wait3A_670 = arith.constant 0 : i32
    %dma_wait3A_671 = arith.constant 0 : i32
    %dma_wait3A_672 = tpu.memref_slice %arg2[%add3A_573, %dma_wait3A_670, %dma_wait3A_671] : memref<2048x8x1000xf32, #tpu.memory_space<hbm>> -> memref<2x8x1000xf32, #tpu.memory_space<hbm>>
    tpu.wait_dma2 semaphore(%arg13 : memref<!tpu.dma_semaphore, #tpu.memory_space<semaphore_mem>>) src(%dma_wait3A_672 : memref<2x8x1000xf32, #tpu.memory_space<hbm>>) dst(%arg8 : memref<2x8x1000xf32, #tpu.memory_space<vmem>>)
    %get3A_673 = arith.constant 352 : index
    %get3A_674 = tpu.vector_load %arg5[%get3A_673] {strides = array<i32>} : memref<512xi32, #tpu.memory_space<vmem>>, vector<16xi32>,
    %iota3A_675 = tpu.iota {dimensions = array<i32: 0>} : vector<16xi32>
    %add3A_676 = arith.constant 0 : i32
    %add3A_677 = vector.broadcast %add3A_676 : i32 to vector<16xi32>
    %add3A_678 = arith.addi %add3A_677, %iota3A_675 : vector<16xi32>
    %shift_right_logical3A_679 = arith.constant 3 : i32
    %shift_right_logical3A_680 = vector.broadcast %shift_right_logical3A_679 : i32 to vector<16xi32>
    %shift_right_logical3A_681 = arith.shrui %add3A_678, %shift_right_logical3A_680 : vector<16xi32>
    %and3A_682 = arith.constant 7 : i32
    %and3A_683 = vector.broadcast %and3A_682 : i32 to vector<16xi32>
    %and3A_684 = arith.andi %add3A_678, %and3A_683 : vector<16xi32>
    %gather3A_685 = tpu.vector_load_idx %arg8[%shift_right_logical3A_681, %and3A_684, %get3A_674] : memref<2x8x1000xf32, #tpu.memory_space<vmem>>[vector<16xi32>, vector<16xi32>, vector<16xi32>], vector<16xf32>,
    %swap3A_686 = arith.constant 352 : index
    %swap3A_687 = tpu.vector_load %arg10[%swap3A_686] {strides = array<i32>} : memref<512xf32, #tpu.memory_space<vmem>>, vector<16xf32>,
    tpu.vector_store %arg10[%swap3A_686], %gather3A_685 {strides = array<i32>} : memref<512xf32, #tpu.memory_space<vmem>>, vector<16xf32>,
    %add3A_688 = arith.constant 52 : i32
    %add3A_689 = arith.addi %mul3A_4, %add3A_688 : i32
    %dma_start3A_690 = arith.constant 0 : i32
    %dma_start3A_691 = arith.constant 0 : i32
    %dma_start3A_692 = tpu.memref_slice %arg2[%add3A_689, %dma_start3A_690, %dma_start3A_691] : memref<2048x8x1000xf32, #tpu.memory_space<hbm>> -> memref<2x8x1000xf32, #tpu.memory_space<hbm>>
    %dma_start3A_693 = arith.constant 0 : i32
    %dma_start3A_694 = arith.constant 0 : i32
    %dma_start3A_695 = tpu.memref_slice %arg2[%add3A_689, %dma_start3A_693, %dma_start3A_694] : memref<2048x8x1000xf32, #tpu.memory_space<hbm>> -> memref<2x8x1000xf32, #tpu.memory_space<hbm>>
    tpu.enqueue_dma source(%dma_start3A_695 : memref<2x8x1000xf32, #tpu.memory_space<hbm>>) target(%arg8 : memref<2x8x1000xf32, #tpu.memory_space<vmem>>) target_semaphore(%arg13 : memref<!tpu.dma_semaphore, #tpu.memory_space<semaphore_mem>>)
    %dma_wait3A_696 = arith.constant 0 : i32
    %dma_wait3A_697 = arith.constant 0 : i32
    %dma_wait3A_698 = tpu.memref_slice %arg2[%add3A_602, %dma_wait3A_696, %dma_wait3A_697] : memref<2048x8x1000xf32, #tpu.memory_space<hbm>> -> memref<2x8x1000xf32, #tpu.memory_space<hbm>>
    %dma_wait3A_699 = arith.constant 0 : i32
    %dma_wait3A_700 = arith.constant 0 : i32
    %dma_wait3A_701 = tpu.memref_slice %arg2[%add3A_602, %dma_wait3A_699, %dma_wait3A_700] : memref<2048x8x1000xf32, #tpu.memory_space<hbm>> -> memref<2x8x1000xf32, #tpu.memory_space<hbm>>
    tpu.wait_dma2 semaphore(%arg14 : memref<!tpu.dma_semaphore, #tpu.memory_space<semaphore_mem>>) src(%dma_wait3A_701 : memref<2x8x1000xf32, #tpu.memory_space<hbm>>) dst(%arg9 : memref<2x8x1000xf32, #tpu.memory_space<vmem>>)
    %get3A_702 = arith.constant 368 : index
    %get3A_703 = tpu.vector_load %arg5[%get3A_702] {strides = array<i32>} : memref<512xi32, #tpu.memory_space<vmem>>, vector<16xi32>,
    %iota3A_704 = tpu.iota {dimensions = array<i32: 0>} : vector<16xi32>
    %add3A_705 = arith.constant 0 : i32
    %add3A_706 = vector.broadcast %add3A_705 : i32 to vector<16xi32>
    %add3A_707 = arith.addi %add3A_706, %iota3A_704 : vector<16xi32>
    %shift_right_logical3A_708 = arith.constant 3 : i32
    %shift_right_logical3A_709 = vector.broadcast %shift_right_logical3A_708 : i32 to vector<16xi32>
    %shift_right_logical3A_710 = arith.shrui %add3A_707, %shift_right_logical3A_709 : vector<16xi32>
    %and3A_711 = arith.constant 7 : i32
    %and3A_712 = vector.broadcast %and3A_711 : i32 to vector<16xi32>
    %and3A_713 = arith.andi %add3A_707, %and3A_712 : vector<16xi32>
    %gather3A_714 = tpu.vector_load_idx %arg9[%shift_right_logical3A_710, %and3A_713, %get3A_703] : memref<2x8x1000xf32, #tpu.memory_space<vmem>>[vector<16xi32>, vector<16xi32>, vector<16xi32>], vector<16xf32>,
    %swap3A_715 = arith.constant 368 : index
    %swap3A_716 = tpu.vector_load %arg10[%swap3A_715] {strides = array<i32>} : memref<512xf32, #tpu.memory_space<vmem>>, vector<16xf32>,
    tpu.vector_store %arg10[%swap3A_715], %gather3A_714 {strides = array<i32>} : memref<512xf32, #tpu.memory_space<vmem>>, vector<16xf32>,
    %add3A_717 = arith.constant 54 : i32
    %add3A_718 = arith.addi %mul3A_4, %add3A_717 : i32
    %dma_start3A_719 = arith.constant 0 : i32
    %dma_start3A_720 = arith.constant 0 : i32
    %dma_start3A_721 = tpu.memref_slice %arg2[%add3A_718, %dma_start3A_719, %dma_start3A_720] : memref<2048x8x1000xf32, #tpu.memory_space<hbm>> -> memref<2x8x1000xf32, #tpu.memory_space<hbm>>
    %dma_start3A_722 = arith.constant 0 : i32
    %dma_start3A_723 = arith.constant 0 : i32
    %dma_start3A_724 = tpu.memref_slice %arg2[%add3A_718, %dma_start3A_722, %dma_start3A_723] : memref<2048x8x1000xf32, #tpu.memory_space<hbm>> -> memref<2x8x1000xf32, #tpu.memory_space<hbm>>
    tpu.enqueue_dma source(%dma_start3A_724 : memref<2x8x1000xf32, #tpu.memory_space<hbm>>) target(%arg9 : memref<2x8x1000xf32, #tpu.memory_space<vmem>>) target_semaphore(%arg14 : memref<!tpu.dma_semaphore, #tpu.memory_space<semaphore_mem>>)
    %dma_wait3A_725 = arith.constant 0 : i32
    %dma_wait3A_726 = arith.constant 0 : i32
    %dma_wait3A_727 = tpu.memref_slice %arg2[%add3A_631, %dma_wait3A_725, %dma_wait3A_726] : memref<2048x8x1000xf32, #tpu.memory_space<hbm>> -> memref<2x8x1000xf32, #tpu.memory_space<hbm>>
    %dma_wait3A_728 = arith.constant 0 : i32
    %dma_wait3A_729 = arith.constant 0 : i32
    %dma_wait3A_730 = tpu.memref_slice %arg2[%add3A_631, %dma_wait3A_728, %dma_wait3A_729] : memref<2048x8x1000xf32, #tpu.memory_space<hbm>> -> memref<2x8x1000xf32, #tpu.memory_space<hbm>>
    tpu.wait_dma2 semaphore(%arg11 : memref<!tpu.dma_semaphore, #tpu.memory_space<semaphore_mem>>) src(%dma_wait3A_730 : memref<2x8x1000xf32, #tpu.memory_space<hbm>>) dst(%arg6 : memref<2x8x1000xf32, #tpu.memory_space<vmem>>)
    %get3A_731 = arith.constant 384 : index
    %get3A_732 = tpu.vector_load %arg5[%get3A_731] {strides = array<i32>} : memref<512xi32, #tpu.memory_space<vmem>>, vector<16xi32>,
    %iota3A_733 = tpu.iota {dimensions = array<i32: 0>} : vector<16xi32>
    %add3A_734 = arith.constant 0 : i32
    %add3A_735 = vector.broadcast %add3A_734 : i32 to vector<16xi32>
    %add3A_736 = arith.addi %add3A_735, %iota3A_733 : vector<16xi32>
    %shift_right_logical3A_737 = arith.constant 3 : i32
    %shift_right_logical3A_738 = vector.broadcast %shift_right_logical3A_737 : i32 to vector<16xi32>
    %shift_right_logical3A_739 = arith.shrui %add3A_736, %shift_right_logical3A_738 : vector<16xi32>
    %and3A_740 = arith.constant 7 : i32
    %and3A_741 = vector.broadcast %and3A_740 : i32 to vector<16xi32>
    %and3A_742 = arith.andi %add3A_736, %and3A_741 : vector<16xi32>
    %gather3A_743 = tpu.vector_load_idx %arg6[%shift_right_logical3A_739, %and3A_742, %get3A_732] : memref<2x8x1000xf32, #tpu.memory_space<vmem>>[vector<16xi32>, vector<16xi32>, vector<16xi32>], vector<16xf32>,
    %swap3A_744 = arith.constant 384 : index
    %swap3A_745 = tpu.vector_load %arg10[%swap3A_744] {strides = array<i32>} : memref<512xf32, #tpu.memory_space<vmem>>, vector<16xf32>,
    tpu.vector_store %arg10[%swap3A_744], %gather3A_743 {strides = array<i32>} : memref<512xf32, #tpu.memory_space<vmem>>, vector<16xf32>,
    %add3A_746 = arith.constant 56 : i32
    %add3A_747 = arith.addi %mul3A_4, %add3A_746 : i32
    %dma_start3A_748 = arith.constant 0 : i32
    %dma_start3A_749 = arith.constant 0 : i32
    %dma_start3A_750 = tpu.memref_slice %arg2[%add3A_747, %dma_start3A_748, %dma_start3A_749] : memref<2048x8x1000xf32, #tpu.memory_space<hbm>> -> memref<2x8x1000xf32, #tpu.memory_space<hbm>>
    %dma_start3A_751 = arith.constant 0 : i32
    %dma_start3A_752 = arith.constant 0 : i32
    %dma_start3A_753 = tpu.memref_slice %arg2[%add3A_747, %dma_start3A_751, %dma_start3A_752] : memref<2048x8x1000xf32, #tpu.memory_space<hbm>> -> memref<2x8x1000xf32, #tpu.memory_space<hbm>>
    tpu.enqueue_dma source(%dma_start3A_753 : memref<2x8x1000xf32, #tpu.memory_space<hbm>>) target(%arg6 : memref<2x8x1000xf32, #tpu.memory_space<vmem>>) target_semaphore(%arg11 : memref<!tpu.dma_semaphore, #tpu.memory_space<semaphore_mem>>)
    %dma_wait3A_754 = arith.constant 0 : i32
    %dma_wait3A_755 = arith.constant 0 : i32
    %dma_wait3A_756 = tpu.memref_slice %arg2[%add3A_660, %dma_wait3A_754, %dma_wait3A_755] : memref<2048x8x1000xf32, #tpu.memory_space<hbm>> -> memref<2x8x1000xf32, #tpu.memory_space<hbm>>
    %dma_wait3A_757 = arith.constant 0 : i32
    %dma_wait3A_758 = arith.constant 0 : i32
    %dma_wait3A_759 = tpu.memref_slice %arg2[%add3A_660, %dma_wait3A_757, %dma_wait3A_758] : memref<2048x8x1000xf32, #tpu.memory_space<hbm>> -> memref<2x8x1000xf32, #tpu.memory_space<hbm>>
    tpu.wait_dma2 semaphore(%arg12 : memref<!tpu.dma_semaphore, #tpu.memory_space<semaphore_mem>>) src(%dma_wait3A_759 : memref<2x8x1000xf32, #tpu.memory_space<hbm>>) dst(%arg7 : memref<2x8x1000xf32, #tpu.memory_space<vmem>>)
    %get3A_760 = arith.constant 400 : index
    %get3A_761 = tpu.vector_load %arg5[%get3A_760] {strides = array<i32>} : memref<512xi32, #tpu.memory_space<vmem>>, vector<16xi32>,
    %iota3A_762 = tpu.iota {dimensions = array<i32: 0>} : vector<16xi32>
    %add3A_763 = arith.constant 0 : i32
    %add3A_764 = vector.broadcast %add3A_763 : i32 to vector<16xi32>
    %add3A_765 = arith.addi %add3A_764, %iota3A_762 : vector<16xi32>
    %shift_right_logical3A_766 = arith.constant 3 : i32
    %shift_right_logical3A_767 = vector.broadcast %shift_right_logical3A_766 : i32 to vector<16xi32>
    %shift_right_logical3A_768 = arith.shrui %add3A_765, %shift_right_logical3A_767 : vector<16xi32>
    %and3A_769 = arith.constant 7 : i32
    %and3A_770 = vector.broadcast %and3A_769 : i32 to vector<16xi32>
    %and3A_771 = arith.andi %add3A_765, %and3A_770 : vector<16xi32>
    %gather3A_772 = tpu.vector_load_idx %arg7[%shift_right_logical3A_768, %and3A_771, %get3A_761] : memref<2x8x1000xf32, #tpu.memory_space<vmem>>[vector<16xi32>, vector<16xi32>, vector<16xi32>], vector<16xf32>,
    %swap3A_773 = arith.constant 400 : index
    %swap3A_774 = tpu.vector_load %arg10[%swap3A_773] {strides = array<i32>} : memref<512xf32, #tpu.memory_space<vmem>>, vector<16xf32>,
    tpu.vector_store %arg10[%swap3A_773], %gather3A_772 {strides = array<i32>} : memref<512xf32, #tpu.memory_space<vmem>>, vector<16xf32>,
    %add3A_775 = arith.constant 58 : i32
    %add3A_776 = arith.addi %mul3A_4, %add3A_775 : i32
    %dma_start3A_777 = arith.constant 0 : i32
    %dma_start3A_778 = arith.constant 0 : i32
    %dma_start3A_779 = tpu.memref_slice %arg2[%add3A_776, %dma_start3A_777, %dma_start3A_778] : memref<2048x8x1000xf32, #tpu.memory_space<hbm>> -> memref<2x8x1000xf32, #tpu.memory_space<hbm>>
    %dma_start3A_780 = arith.constant 0 : i32
    %dma_start3A_781 = arith.constant 0 : i32
    %dma_start3A_782 = tpu.memref_slice %arg2[%add3A_776, %dma_start3A_780, %dma_start3A_781] : memref<2048x8x1000xf32, #tpu.memory_space<hbm>> -> memref<2x8x1000xf32, #tpu.memory_space<hbm>>
    tpu.enqueue_dma source(%dma_start3A_782 : memref<2x8x1000xf32, #tpu.memory_space<hbm>>) target(%arg7 : memref<2x8x1000xf32, #tpu.memory_space<vmem>>) target_semaphore(%arg12 : memref<!tpu.dma_semaphore, #tpu.memory_space<semaphore_mem>>)
    %dma_wait3A_783 = arith.constant 0 : i32
    %dma_wait3A_784 = arith.constant 0 : i32
    %dma_wait3A_785 = tpu.memref_slice %arg2[%add3A_689, %dma_wait3A_783, %dma_wait3A_784] : memref<2048x8x1000xf32, #tpu.memory_space<hbm>> -> memref<2x8x1000xf32, #tpu.memory_space<hbm>>
    %dma_wait3A_786 = arith.constant 0 : i32
    %dma_wait3A_787 = arith.constant 0 : i32
    %dma_wait3A_788 = tpu.memref_slice %arg2[%add3A_689, %dma_wait3A_786, %dma_wait3A_787] : memref<2048x8x1000xf32, #tpu.memory_space<hbm>> -> memref<2x8x1000xf32, #tpu.memory_space<hbm>>
    tpu.wait_dma2 semaphore(%arg13 : memref<!tpu.dma_semaphore, #tpu.memory_space<semaphore_mem>>) src(%dma_wait3A_788 : memref<2x8x1000xf32, #tpu.memory_space<hbm>>) dst(%arg8 : memref<2x8x1000xf32, #tpu.memory_space<vmem>>)
    %get3A_789 = arith.constant 416 : index
    %get3A_790 = tpu.vector_load %arg5[%get3A_789] {strides = array<i32>} : memref<512xi32, #tpu.memory_space<vmem>>, vector<16xi32>,
    %iota3A_791 = tpu.iota {dimensions = array<i32: 0>} : vector<16xi32>
    %add3A_792 = arith.constant 0 : i32
    %add3A_793 = vector.broadcast %add3A_792 : i32 to vector<16xi32>
    %add3A_794 = arith.addi %add3A_793, %iota3A_791 : vector<16xi32>
    %shift_right_logical3A_795 = arith.constant 3 : i32
    %shift_right_logical3A_796 = vector.broadcast %shift_right_logical3A_795 : i32 to vector<16xi32>
    %shift_right_logical3A_797 = arith.shrui %add3A_794, %shift_right_logical3A_796 : vector<16xi32>
    %and3A_798 = arith.constant 7 : i32
    %and3A_799 = vector.broadcast %and3A_798 : i32 to vector<16xi32>
    %and3A_800 = arith.andi %add3A_794, %and3A_799 : vector<16xi32>
    %gather3A_801 = tpu.vector_load_idx %arg8[%shift_right_logical3A_797, %and3A_800, %get3A_790] : memref<2x8x1000xf32, #tpu.memory_space<vmem>>[vector<16xi32>, vector<16xi32>, vector<16xi32>], vector<16xf32>,
    %swap3A_802 = arith.constant 416 : index
    %swap3A_803 = tpu.vector_load %arg10[%swap3A_802] {strides = array<i32>} : memref<512xf32, #tpu.memory_space<vmem>>, vector<16xf32>,
    tpu.vector_store %arg10[%swap3A_802], %gather3A_801 {strides = array<i32>} : memref<512xf32, #tpu.memory_space<vmem>>, vector<16xf32>,
    %add3A_804 = arith.constant 60 : i32
    %add3A_805 = arith.addi %mul3A_4, %add3A_804 : i32
    %dma_start3A_806 = arith.constant 0 : i32
    %dma_start3A_807 = arith.constant 0 : i32
    %dma_start3A_808 = tpu.memref_slice %arg2[%add3A_805, %dma_start3A_806, %dma_start3A_807] : memref<2048x8x1000xf32, #tpu.memory_space<hbm>> -> memref<2x8x1000xf32, #tpu.memory_space<hbm>>
    %dma_start3A_809 = arith.constant 0 : i32
    %dma_start3A_810 = arith.constant 0 : i32
    %dma_start3A_811 = tpu.memref_slice %arg2[%add3A_805, %dma_start3A_809, %dma_start3A_810] : memref<2048x8x1000xf32, #tpu.memory_space<hbm>> -> memref<2x8x1000xf32, #tpu.memory_space<hbm>>
    tpu.enqueue_dma source(%dma_start3A_811 : memref<2x8x1000xf32, #tpu.memory_space<hbm>>) target(%arg8 : memref<2x8x1000xf32, #tpu.memory_space<vmem>>) target_semaphore(%arg13 : memref<!tpu.dma_semaphore, #tpu.memory_space<semaphore_mem>>)
    %dma_wait3A_812 = arith.constant 0 : i32
    %dma_wait3A_813 = arith.constant 0 : i32
    %dma_wait3A_814 = tpu.memref_slice %arg2[%add3A_718, %dma_wait3A_812, %dma_wait3A_813] : memref<2048x8x1000xf32, #tpu.memory_space<hbm>> -> memref<2x8x1000xf32, #tpu.memory_space<hbm>>
    %dma_wait3A_815 = arith.constant 0 : i32
    %dma_wait3A_816 = arith.constant 0 : i32
    %dma_wait3A_817 = tpu.memref_slice %arg2[%add3A_718, %dma_wait3A_815, %dma_wait3A_816] : memref<2048x8x1000xf32, #tpu.memory_space<hbm>> -> memref<2x8x1000xf32, #tpu.memory_space<hbm>>
    tpu.wait_dma2 semaphore(%arg14 : memref<!tpu.dma_semaphore, #tpu.memory_space<semaphore_mem>>) src(%dma_wait3A_817 : memref<2x8x1000xf32, #tpu.memory_space<hbm>>) dst(%arg9 : memref<2x8x1000xf32, #tpu.memory_space<vmem>>)
    %get3A_818 = arith.constant 432 : index
    %get3A_819 = tpu.vector_load %arg5[%get3A_818] {strides = array<i32>} : memref<512xi32, #tpu.memory_space<vmem>>, vector<16xi32>,
    %iota3A_820 = tpu.iota {dimensions = array<i32: 0>} : vector<16xi32>
    %add3A_821 = arith.constant 0 : i32
    %add3A_822 = vector.broadcast %add3A_821 : i32 to vector<16xi32>
    %add3A_823 = arith.addi %add3A_822, %iota3A_820 : vector<16xi32>
    %shift_right_logical3A_824 = arith.constant 3 : i32
    %shift_right_logical3A_825 = vector.broadcast %shift_right_logical3A_824 : i32 to vector<16xi32>
    %shift_right_logical3A_826 = arith.shrui %add3A_823, %shift_right_logical3A_825 : vector<16xi32>
    %and3A_827 = arith.constant 7 : i32
    %and3A_828 = vector.broadcast %and3A_827 : i32 to vector<16xi32>
    %and3A_829 = arith.andi %add3A_823, %and3A_828 : vector<16xi32>
    %gather3A_830 = tpu.vector_load_idx %arg9[%shift_right_logical3A_826, %and3A_829, %get3A_819] : memref<2x8x1000xf32, #tpu.memory_space<vmem>>[vector<16xi32>, vector<16xi32>, vector<16xi32>], vector<16xf32>,
    %swap3A_831 = arith.constant 432 : index
    %swap3A_832 = tpu.vector_load %arg10[%swap3A_831] {strides = array<i32>} : memref<512xf32, #tpu.memory_space<vmem>>, vector<16xf32>,
    tpu.vector_store %arg10[%swap3A_831], %gather3A_830 {strides = array<i32>} : memref<512xf32, #tpu.memory_space<vmem>>, vector<16xf32>,
    %add3A_833 = arith.constant 62 : i32
    %add3A_834 = arith.addi %mul3A_4, %add3A_833 : i32
    %dma_start3A_835 = arith.constant 0 : i32
    %dma_start3A_836 = arith.constant 0 : i32
    %dma_start3A_837 = tpu.memref_slice %arg2[%add3A_834, %dma_start3A_835, %dma_start3A_836] : memref<2048x8x1000xf32, #tpu.memory_space<hbm>> -> memref<2x8x1000xf32, #tpu.memory_space<hbm>>
    %dma_start3A_838 = arith.constant 0 : i32
    %dma_start3A_839 = arith.constant 0 : i32
    %dma_start3A_840 = tpu.memref_slice %arg2[%add3A_834, %dma_start3A_838, %dma_start3A_839] : memref<2048x8x1000xf32, #tpu.memory_space<hbm>> -> memref<2x8x1000xf32, #tpu.memory_space<hbm>>
    tpu.enqueue_dma source(%dma_start3A_840 : memref<2x8x1000xf32, #tpu.memory_space<hbm>>) target(%arg9 : memref<2x8x1000xf32, #tpu.memory_space<vmem>>) target_semaphore(%arg14 : memref<!tpu.dma_semaphore, #tpu.memory_space<semaphore_mem>>)
    %dma_wait3A_841 = arith.constant 0 : i32
    %dma_wait3A_842 = arith.constant 0 : i32
    %dma_wait3A_843 = tpu.memref_slice %arg2[%add3A_747, %dma_wait3A_841, %dma_wait3A_842] : memref<2048x8x1000xf32, #tpu.memory_space<hbm>> -> memref<2x8x1000xf32, #tpu.memory_space<hbm>>
    %dma_wait3A_844 = arith.constant 0 : i32
    %dma_wait3A_845 = arith.constant 0 : i32
    %dma_wait3A_846 = tpu.memref_slice %arg2[%add3A_747, %dma_wait3A_844, %dma_wait3A_845] : memref<2048x8x1000xf32, #tpu.memory_space<hbm>> -> memref<2x8x1000xf32, #tpu.memory_space<hbm>>
    tpu.wait_dma2 semaphore(%arg11 : memref<!tpu.dma_semaphore, #tpu.memory_space<semaphore_mem>>) src(%dma_wait3A_846 : memref<2x8x1000xf32, #tpu.memory_space<hbm>>) dst(%arg6 : memref<2x8x1000xf32, #tpu.memory_space<vmem>>)
    %get3A_847 = arith.constant 448 : index
    %get3A_848 = tpu.vector_load %arg5[%get3A_847] {strides = array<i32>} : memref<512xi32, #tpu.memory_space<vmem>>, vector<16xi32>,
    %iota3A_849 = tpu.iota {dimensions = array<i32: 0>} : vector<16xi32>
    %add3A_850 = arith.constant 0 : i32
    %add3A_851 = vector.broadcast %add3A_850 : i32 to vector<16xi32>
    %add3A_852 = arith.addi %add3A_851, %iota3A_849 : vector<16xi32>
    %shift_right_logical3A_853 = arith.constant 3 : i32
    %shift_right_logical3A_854 = vector.broadcast %shift_right_logical3A_853 : i32 to vector<16xi32>
    %shift_right_logical3A_855 = arith.shrui %add3A_852, %shift_right_logical3A_854 : vector<16xi32>
    %and3A_856 = arith.constant 7 : i32
    %and3A_857 = vector.broadcast %and3A_856 : i32 to vector<16xi32>
    %and3A_858 = arith.andi %add3A_852, %and3A_857 : vector<16xi32>
    %gather3A_859 = tpu.vector_load_idx %arg6[%shift_right_logical3A_855, %and3A_858, %get3A_848] : memref<2x8x1000xf32, #tpu.memory_space<vmem>>[vector<16xi32>, vector<16xi32>, vector<16xi32>], vector<16xf32>,
    %swap3A_860 = arith.constant 448 : index
    %swap3A_861 = tpu.vector_load %arg10[%swap3A_860] {strides = array<i32>} : memref<512xf32, #tpu.memory_space<vmem>>, vector<16xf32>,
    tpu.vector_store %arg10[%swap3A_860], %gather3A_859 {strides = array<i32>} : memref<512xf32, #tpu.memory_space<vmem>>, vector<16xf32>,
    %dma_wait3A_862 = arith.constant 0 : i32
    %dma_wait3A_863 = arith.constant 0 : i32
    %dma_wait3A_864 = tpu.memref_slice %arg2[%add3A_776, %dma_wait3A_862, %dma_wait3A_863] : memref<2048x8x1000xf32, #tpu.memory_space<hbm>> -> memref<2x8x1000xf32, #tpu.memory_space<hbm>>
    %dma_wait3A_865 = arith.constant 0 : i32
    %dma_wait3A_866 = arith.constant 0 : i32
    %dma_wait3A_867 = tpu.memref_slice %arg2[%add3A_776, %dma_wait3A_865, %dma_wait3A_866] : memref<2048x8x1000xf32, #tpu.memory_space<hbm>> -> memref<2x8x1000xf32, #tpu.memory_space<hbm>>
    tpu.wait_dma2 semaphore(%arg12 : memref<!tpu.dma_semaphore, #tpu.memory_space<semaphore_mem>>) src(%dma_wait3A_867 : memref<2x8x1000xf32, #tpu.memory_space<hbm>>) dst(%arg7 : memref<2x8x1000xf32, #tpu.memory_space<vmem>>)
    %get3A_868 = arith.constant 464 : index
    %get3A_869 = tpu.vector_load %arg5[%get3A_868] {strides = array<i32>} : memref<512xi32, #tpu.memory_space<vmem>>, vector<16xi32>,
    %iota3A_870 = tpu.iota {dimensions = array<i32: 0>} : vector<16xi32>
    %add3A_871 = arith.constant 0 : i32
    %add3A_872 = vector.broadcast %add3A_871 : i32 to vector<16xi32>
    %add3A_873 = arith.addi %add3A_872, %iota3A_870 : vector<16xi32>
    %shift_right_logical3A_874 = arith.constant 3 : i32
    %shift_right_logical3A_875 = vector.broadcast %shift_right_logical3A_874 : i32 to vector<16xi32>
    %shift_right_logical3A_876 = arith.shrui %add3A_873, %shift_right_logical3A_875 : vector<16xi32>
    %and3A_877 = arith.constant 7 : i32
    %and3A_878 = vector.broadcast %and3A_877 : i32 to vector<16xi32>
    %and3A_879 = arith.andi %add3A_873, %and3A_878 : vector<16xi32>
    %gather3A_880 = tpu.vector_load_idx %arg7[%shift_right_logical3A_876, %and3A_879, %get3A_869] : memref<2x8x1000xf32, #tpu.memory_space<vmem>>[vector<16xi32>, vector<16xi32>, vector<16xi32>], vector<16xf32>,
    %swap3A_881 = arith.constant 464 : index
    %swap3A_882 = tpu.vector_load %arg10[%swap3A_881] {strides = array<i32>} : memref<512xf32, #tpu.memory_space<vmem>>, vector<16xf32>,
    tpu.vector_store %arg10[%swap3A_881], %gather3A_880 {strides = array<i32>} : memref<512xf32, #tpu.memory_space<vmem>>, vector<16xf32>,
    %dma_wait3A_883 = arith.constant 0 : i32
    %dma_wait3A_884 = arith.constant 0 : i32
    %dma_wait3A_885 = tpu.memref_slice %arg2[%add3A_805, %dma_wait3A_883, %dma_wait3A_884] : memref<2048x8x1000xf32, #tpu.memory_space<hbm>> -> memref<2x8x1000xf32, #tpu.memory_space<hbm>>
    %dma_wait3A_886 = arith.constant 0 : i32
    %dma_wait3A_887 = arith.constant 0 : i32
    %dma_wait3A_888 = tpu.memref_slice %arg2[%add3A_805, %dma_wait3A_886, %dma_wait3A_887] : memref<2048x8x1000xf32, #tpu.memory_space<hbm>> -> memref<2x8x1000xf32, #tpu.memory_space<hbm>>
    tpu.wait_dma2 semaphore(%arg13 : memref<!tpu.dma_semaphore, #tpu.memory_space<semaphore_mem>>) src(%dma_wait3A_888 : memref<2x8x1000xf32, #tpu.memory_space<hbm>>) dst(%arg8 : memref<2x8x1000xf32, #tpu.memory_space<vmem>>)
    %get3A_889 = arith.constant 480 : index
    %get3A_890 = tpu.vector_load %arg5[%get3A_889] {strides = array<i32>} : memref<512xi32, #tpu.memory_space<vmem>>, vector<16xi32>,
    %iota3A_891 = tpu.iota {dimensions = array<i32: 0>} : vector<16xi32>
    %add3A_892 = arith.constant 0 : i32
    %add3A_893 = vector.broadcast %add3A_892 : i32 to vector<16xi32>
    %add3A_894 = arith.addi %add3A_893, %iota3A_891 : vector<16xi32>
    %shift_right_logical3A_895 = arith.constant 3 : i32
    %shift_right_logical3A_896 = vector.broadcast %shift_right_logical3A_895 : i32 to vector<16xi32>
    %shift_right_logical3A_897 = arith.shrui %add3A_894, %shift_right_logical3A_896 : vector<16xi32>
    %and3A_898 = arith.constant 7 : i32
    %and3A_899 = vector.broadcast %and3A_898 : i32 to vector<16xi32>
    %and3A_900 = arith.andi %add3A_894, %and3A_899 : vector<16xi32>
    %gather3A_901 = tpu.vector_load_idx %arg8[%shift_right_logical3A_897, %and3A_900, %get3A_890] : memref<2x8x1000xf32, #tpu.memory_space<vmem>>[vector<16xi32>, vector<16xi32>, vector<16xi32>], vector<16xf32>,
    %swap3A_902 = arith.constant 480 : index
    %swap3A_903 = tpu.vector_load %arg10[%swap3A_902] {strides = array<i32>} : memref<512xf32, #tpu.memory_space<vmem>>, vector<16xf32>,
    tpu.vector_store %arg10[%swap3A_902], %gather3A_901 {strides = array<i32>} : memref<512xf32, #tpu.memory_space<vmem>>, vector<16xf32>,
    %dma_wait3A_904 = arith.constant 0 : i32
    %dma_wait3A_905 = arith.constant 0 : i32
    %dma_wait3A_906 = tpu.memref_slice %arg2[%add3A_834, %dma_wait3A_904, %dma_wait3A_905] : memref<2048x8x1000xf32, #tpu.memory_space<hbm>> -> memref<2x8x1000xf32, #tpu.memory_space<hbm>>
    %dma_wait3A_907 = arith.constant 0 : i32
    %dma_wait3A_908 = arith.constant 0 : i32
    %dma_wait3A_909 = tpu.memref_slice %arg2[%add3A_834, %dma_wait3A_907, %dma_wait3A_908] : memref<2048x8x1000xf32, #tpu.memory_space<hbm>> -> memref<2x8x1000xf32, #tpu.memory_space<hbm>>
    tpu.wait_dma2 semaphore(%arg14 : memref<!tpu.dma_semaphore, #tpu.memory_space<semaphore_mem>>) src(%dma_wait3A_909 : memref<2x8x1000xf32, #tpu.memory_space<hbm>>) dst(%arg9 : memref<2x8x1000xf32, #tpu.memory_space<vmem>>)
    %get3A_910 = arith.constant 496 : index
    %get3A_911 = tpu.vector_load %arg5[%get3A_910] {strides = array<i32>} : memref<512xi32, #tpu.memory_space<vmem>>, vector<16xi32>,
    %iota3A_912 = tpu.iota {dimensions = array<i32: 0>} : vector<16xi32>
    %add3A_913 = arith.constant 0 : i32
    %add3A_914 = vector.broadcast %add3A_913 : i32 to vector<16xi32>
    %add3A_915 = arith.addi %add3A_914, %iota3A_912 : vector<16xi32>
    %shift_right_logical3A_916 = arith.constant 3 : i32
    %shift_right_logical3A_917 = vector.broadcast %shift_right_logical3A_916 : i32 to vector<16xi32>
    %shift_right_logical3A_918 = arith.shrui %add3A_915, %shift_right_logical3A_917 : vector<16xi32>
    %and3A_919 = arith.constant 7 : i32
    %and3A_920 = vector.broadcast %and3A_919 : i32 to vector<16xi32>
    %and3A_921 = arith.andi %add3A_915, %and3A_920 : vector<16xi32>
    %gather3A_922 = tpu.vector_load_idx %arg9[%shift_right_logical3A_918, %and3A_921, %get3A_911] : memref<2x8x1000xf32, #tpu.memory_space<vmem>>[vector<16xi32>, vector<16xi32>, vector<16xi32>], vector<16xf32>,
    %swap3A_923 = arith.constant 496 : index
    %swap3A_924 = tpu.vector_load %arg10[%swap3A_923] {strides = array<i32>} : memref<512xf32, #tpu.memory_space<vmem>>, vector<16xf32>,
    tpu.vector_store %arg10[%swap3A_923], %gather3A_922 {strides = array<i32>} : memref<512xf32, #tpu.memory_space<vmem>>, vector<16xf32>,
    "tpu.region"() ({
      %run_scoped3A = tpu.sem_alloc : memref<!tpu.dma_semaphore, #tpu.memory_space<semaphore_mem>>
      %dma_start3A_925 = tpu.memref_slice %arg4[%mul3A_2] : memref<16384xf32, #tpu.memory_space<hbm>> -> memref<512xf32, #tpu.memory_space<hbm>>
      %dma_start3A_926 = tpu.memref_slice %arg4[%mul3A_2] : memref<16384xf32, #tpu.memory_space<hbm>> -> memref<512xf32, #tpu.memory_space<hbm>>
      tpu.enqueue_dma source(%arg10 : memref<512xf32, #tpu.memory_space<vmem>>) target(%dma_start3A_926 : memref<512xf32, #tpu.memory_space<hbm>>) target_semaphore(%run_scoped3A : memref<!tpu.dma_semaphore, #tpu.memory_space<semaphore_mem>>)
      %dma_wait3A_927 = tpu.memref_slice %arg4[%mul3A_2] : memref<16384xf32, #tpu.memory_space<hbm>> -> memref<512xf32, #tpu.memory_space<hbm>>
      %dma_wait3A_928 = tpu.memref_slice %arg4[%mul3A_2] : memref<16384xf32, #tpu.memory_space<hbm>> -> memref<512xf32, #tpu.memory_space<hbm>>
      tpu.wait_dma2 semaphore(%run_scoped3A : memref<!tpu.dma_semaphore, #tpu.memory_space<semaphore_mem>>) src(%arg10 : memref<512xf32, #tpu.memory_space<vmem>>) dst(%dma_wait3A_928 : memref<512xf32, #tpu.memory_space<hbm>>)
      tpu.yield
    }) : () -> ()
    return
  }
}

</mosaic_0001>

<sc_bundles>
// kernel: kernel.3.cloned.1.call-start
scs
__scs_entry_jumppad:
0x0: {  	(pc) =	sbr.rel $0x88, $3  }
0x1: {  	(tag) =	ssettag $0x0;
	lr =	simm.s32 $0x1  }
0x2: {  	[smem:$0x3F9F] =	sst lr;
	_ =	strace $0xD0000000  }
0x3: {  	_ = 	snop  }
0x4: {  	_ = 	snop  }
0x5: {  	_ = 	snop  }
0x6: {  	_ = 	snop  }
0x7: {  	_ = 	snop  }
__scs_overlays_trampoline_lowered:
0x8: {  	[smem:$0x3FAE] =	sst s0  }
0x9: {  	[smem:$0x3FAF] =	sst s1  }
0xa: {  	[smem:$0x3FB0] =	sst s2  }
0xb: {  	[smem:$0x3FB1] =	sst s3  }
0xc: {  	[smem:$0x3FB2] =	sst s4  }
0xd: {  	[smem:$0x3FB3] =	sst s5  }
0xe: {  	[smem:$0x3FB4] =	sst s6  }
0xf: {  	[smem:$0x3FB5] =	sst s7  }
0x10: {  	[smem:$0x3FB6] =	sst s8  }
0x11: {  	[smem:$0x3FB7] =	sst s9;
	s0 =	simm.s32 @!p0 $0x0  }
0x12: {  	s1 =	sld [smem:$0x3F9D];
	s0 =	simm.s32 @p0 $0x1  }
0x13: {  	[smem:$0x3FB8] =	sst s0;
	s0 =	simm.s32 @!p1 $0x0  }
0x14: {  	s2 =	sld [smem:$0x3F9C];
	s0 =	simm.s32 @p1 $0x1  }
0x15: {  	[smem:$0x3FB9] =	sst s0;
	s0 =	simm.s32 @!p2 $0x0  }
0x16: {  	s3 =	sld [smem:$0x3FDB];
	s0 =	simm.s32 @p2 $0x1  }
0x17: {  	s4 =	simm.s32 $0x1BF5;
	[smem:$0x3FBB] =	sst s0  }
0x18: {  	s0 =	sld [smem:$0x3F9E];
	_ =	swait.ge [sflag:s4], $0x0  }
0x19: {  	s7 =	sld [smem:$0x3F9F]  }
0x1a: {  	s8 =	sadd.s32 $0xFFFFE003, lr  }
0x1b: {  	s9 =	sadd.s32 $0xFFFFFEF7, lr;
	s5 =	simm.s32 $0xFFFFFFFF;
	p2 =	slt.u32 s8, $0xFFFFF086  }
0x1c: {  	p1 =	slt.u32 s9, $0xF7A;
	s5 =	simm.s32 @!p2 $0x0  }
0x1d: {  	s5 =	simm.s32 @p1 $0x1;
	p0 =	seq.s32 s7, s2  }
0x1e: {  	s7 =	smul.u32 @!p0 $0xF7A, s2;
	p2 =	seq.s32 @!p0 s5, $0x0  }
0x1f: {  	s9 =	smul.u32 $0xF7A, s1;
	s8 =	simm.s32 @!p0 $0x1BF5;
	p2 =	por !p2, p0  }
0x20: {  	[sflag:s8] =	ssyncset.s32 @!p0 $0xFFFFF086;
	s6 =	sadd.s32 @!p0 s3, s7;
	s7 =	simm.s32 @!p0 $0x108  }
0x21: {  	s3 =	sadd.s32 s3, s9;
	s6 =	sadd.s32 @!p0 $0x88, s6;
	s7 =	simm.s32 @p2 $0x1082  }
0x22: {  	[simem:s7], [sflag:s8] =	dma.local @!p0 [hbm:s6], $0xF7A  }
0x23: {  	s9 =	sor.u32 $0xD0000000, s2;
	s6 =	simm.s32 $0x108;
	_ =	swait.ge @!p0 [sflag:s8], $0x0  }
0x24: {  	s3 =	sadd.s32 $0x88, s3;
	s6 =	simm.s32 @!p1 $0x1082;
	[sflag:s4] =	ssyncset.s32 $0xFFFFF086  }
0x25: {  	[simem:s6], [sflag:s4] =	dma.local [hbm:s3], $0xF7A  }
0x26: {  	[smem:$0x3F9F] =	sst s1;
	(tag) =	ssettag s2;
	_ =	strace s9  }
0x27: {  	s1 =	sld [smem:$0x3FAF]  }
0x28: {  	s2 =	sld [smem:$0x3FB0]  }
0x29: {  	s4 =	sld [smem:$0x3FB2]  }
0x2a: {  	p0 =	seq.s32 s5, $0x0;
	s5 =	sld [smem:$0x3FB3]  }
0x2b: {  	s6 =	sld [smem:$0x3FB4]  }
0x2c: {  	s7 =	sld [smem:$0x3FB5]  }
0x2d: {  	s3 =	simm.s32 $0x108;
	s8 =	sld [smem:$0x3FB6]  }
0x2e: {  	s3 =	simm.s32 @!p0 $0x1082;
	s9 =	sld [smem:$0x3FB7]  }
0x2f: {  	lr =	sadd.s32 s0, s3;
	s0 =	sld [smem:$0x3FAE]  }
0x30: {  	s3 =	sld [smem:$0x3FB1]  }
0x31: {  	[smem:$0x3FBA] =	sst s10  }
0x32: {  	s10 =	sld [smem:$0x3FB8];
	_ =	sdelay $0x3  }
0x33: {  	p0 =	seq.s32 s10, $0x1;
	s10 =	sld [smem:$0x3FBA];
	_ =	sdelay $0x3  }
0x34: {  	[smem:$0x3FBA] =	sst s10  }
0x35: {  	s10 =	sld [smem:$0x3FB9];
	_ =	sdelay $0x3  }
0x36: {  	p1 =	seq.s32 s10, $0x1;
	s10 =	sld [smem:$0x3FBA];
	_ =	sdelay $0x3  }
0x37: {  	[smem:$0x3FBA] =	sst s10  }
0x38: {  	s10 =	sld [smem:$0x3FBB]  }
0x39: {  	_ = 	snop;
	(pc) =	sbr.ind lr, $3  }
0x3a: {  	_ = 	snop  }
0x3b: {  	_ = 	snop  }
0x3c: {  	p2 =	seq.s32 s10, $0x1;
	s10 =	sld [smem:$0x3FBA]  }
0x3d: {  	_ =	shalt  }
0x3e: {  	_ =	shalt  }
0x3f: {  	_ =	shalt  }
0x40: {  	_ =	shalt  }
0x41: {  	_ =	shalt  }
0x42: {  	_ =	shalt  }
0x43: {  	_ =	shalt  }
0x44: {  	_ =	shalt  }
0x45: {  	_ =	shalt  }
0x46: {  	_ =	shalt  }
0x47: {  	_ =	shalt  }
0x48: {  	_ =	shalt  }
0x49: {  	_ =	shalt  }
0x4a: {  	_ =	shalt  }
0x4b: {  	_ =	shalt  }
0x4c: {  	_ =	shalt  }
0x4d: {  	_ =	shalt  }
0x4e: {  	_ =	shalt  }
0x4f: {  	_ =	shalt  }
0x50: {  	_ =	shalt  }
0x51: {  	_ =	shalt  }
0x52: {  	_ =	shalt  }
0x53: {  	_ =	shalt  }
0x54: {  	_ =	shalt  }
0x55: {  	_ =	shalt  }
0x56: {  	_ =	shalt  }
0x57: {  	_ =	shalt  }
0x58: {  	_ =	shalt  }
0x59: {  	_ =	shalt  }
0x5a: {  	_ =	shalt  }
0x5b: {  	_ =	shalt  }
0x5c: {  	_ =	shalt  }
0x5d: {  	_ =	shalt  }
0x5e: {  	_ =	shalt  }
0x5f: {  	_ =	shalt  }
0x60: {  	_ =	shalt  }
0x61: {  	_ =	shalt  }
0x62: {  	_ =	shalt  }
0x63: {  	_ =	shalt  }
0x64: {  	_ =	shalt  }
0x65: {  	_ =	shalt  }
0x66: {  	_ =	shalt  }
0x67: {  	_ =	shalt  }
0x68: {  	_ =	shalt  }
0x69: {  	_ =	shalt  }
0x6a: {  	_ =	shalt  }
0x6b: {  	_ =	shalt  }
0x6c: {  	_ =	shalt  }
0x6d: {  	_ =	shalt  }
0x6e: {  	_ =	shalt  }
0x6f: {  	_ =	shalt  }
0x70: {  	_ =	shalt  }
0x71: {  	_ =	shalt  }
0x72: {  	_ =	shalt  }
0x73: {  	_ =	shalt  }
0x74: {  	_ =	shalt  }
0x75: {  	_ =	shalt  }
0x76: {  	_ =	shalt  }
0x77: {  	_ =	shalt  }
0x78: {  	_ =	shalt  }
0x79: {  	_ =	shalt  }
0x7a: {  	_ =	shalt  }
0x7b: {  	_ =	shalt  }
0x7c: {  	_ =	shalt  }
0x7d: {  	_ =	shalt  }
0x7e: {  	_ =	shalt  }
0x7f: {  	_ =	shalt  }
0x80: {  	_ =	shalt  }
0x81: {  	_ =	shalt  }
0x82: {  	_ =	shalt  }
0x83: {  	_ =	shalt  }
0x84: {  	_ =	shalt  }
0x85: {  	_ =	shalt  }
0x86: {  	_ =	shalt  }
0x87: {  	_ =	shalt  }
.Lfunc_end0:
.L_simem_size_0:
called_computation_lowered:
.L_overlay_start_0:
0x88: {  	s2 =	sld [smem:$0x3FD9]  }
0x89: {  	s3 =	sld [smem:$0x3FFE];
	_ =	sdelay $0x1  }
0x8a: {  	s1 =	srdreg.scid  }
0x8b: {  	s0 =	sand.u32 $0x1, s1  }
0x8c: {  	s17 =	sshll.u32 s0, $0xA;
	s2 =	sadd.s32 s3, s2  }
0x8d: {  	s2 =	sadd.s32 s2, s17  }
0x8e: {  	[smem:$0x3FC6] =	sst s2  }
0x8f: {  	_ = 	snop  }
0x90: {  	s2 =	sld [smem:$0x3FC8]  }
0x91: {  	s18 =	sld [smem:$0x3FD0];
	(tm) =	ssettm $0x1  }
0x92: {  	s4 =	sld [smem:$0x3FFB];
	_ =	sdelay $0x3  }
0x93: {  	_ =	strace s4  }
0x94: {  	s4 =	sld [smem:$0x3FFC];
	_ =	sdelay $0x3  }
0x95: {  	_ =	strace s4  }
0x96: {  	s4 =	sld [smem:$0x3FFD];
	_ =	sdelay $0x3  }
0x97: {  	_ =	strace s4  }
0x98: {  	_ =	strace $0x8FFFFFFF  }
0x99: {  	s19 =	sld [smem:$0x3FDB];
	_ =	sdelay $0x1  }
0x9a: {  	s5 =	simm.s32 $_scs_section_size  }
0x9b: {  	s6 =	simm.s32 $_size__tile_overlayer_lowered;
	s7 =	simm.s32 $_tile_overlayer_lowered  }
0x9c: {  	s22 =	simm.s32 $0x1BFF;
	s21 =	sshll.u32 s7, $0x1;
	s4 =	sadd.s32 s5, s19  }
0x9d: {  	s8 =	simm.s32 $0x0;
	s20 =	sshll.u32 s6, $0x1;
	s6 =	sadd.s32 s21, s4  }
0x9e: {  	[timem:s8], [sflag:s22] =	dma.local [hbm:s6], s20  }
0x9f: {  	_ =	swait.ge [sflag:s22], s20  }
0xa0: {  	s5 =	ssub.s32 $0x0, s20;
	[sflag:s22] =	ssyncset.done $0x0  }
0xa1: {  	[sflag:s22] =	ssyncadd.s32 s5;
	_ =	sdelay $0x1  }
0xa2: {  	s23 =	simm.s32 $0x1B8B  }
0xa3: {  	_ =	swait.ge [sflag:s23], $0x1  }
0xa4: {  	[sflag:s23] =	ssyncset.done $0x0  }
0xa5: {  	s25 =	simm.s32 $0x1B8E;
	s24 =	sld [smem:$0x3FFE];
	[sflag:s23] =	ssyncadd.s32 $0xFFFFFFFF  }
0xa6: {  	s26 =	simm.s32 $execute0_lowered;
	[smem:$0x3FD2] =	sst s25  }
0xa7: {  	s6 =	sshll.u32 s26, $0x1;
	_ =	strace $0x80000046;
	[dreg:$0x1] =	wrdreg $0xFFFFFFFF  }
0xa8: {  	s28 =	simm.s32 $_size_execute0_lowered;
	s4 =	sadd.s32 s4, s6;
	[dreg:$0x0] =	wrdreg $0x0  }
0xa9: {  	s6 =	sshll.u32 s28, $0x1;
	[dreg:$0x2] =	wrdreg s4  }
0xaa: {  	[dreg:$0x3] =	wrdreg s6  }
0xab: {  	[dreg:$0x4] =	wrdreg $0xC0  }
0xac: {  	_ =	task [dreg:s8], $0x5FFFF  }
0xad: {  	[dreg:$0x1] =	wrdreg $0xFFFFFFFF  }
0xae: {  	[dreg:$0x0] =	wrdreg $0x60  }
0xaf: {  	[dreg:$0x2] =	wrdreg s24  }
0xb0: {  	[dreg:$0x3] =	wrdreg s2  }
0xb1: {  	[dreg:$0x4] =	wrdreg s18  }
0xb2: {  	[dreg:$0x5] =	wrdreg $0x9  }
0xb3: {  	_ =	task.clear_ibuf [dreg:s8], $0x6FFFF;
	_ =	strace $0x90000046  }
0xb4: {  	s29 =	simm.s32 $0x9;
	_ =	strace $0x80000048  }
0xb5: {  	_ =	swait.ge [sflag:s29], $0x1  }
0xb6: {  	[sflag:s29] =	ssyncadd.s32 $0xFFFFFFFF  }
0xb7: {  	_ =	strace $0x90000048  }
0xb8: {  	_ =	sfence  }
0xb9: {  	s30 =	sld [smem:$0x0];
	_ =	sdelay $0x2  }
0xba: {  	s31 =	sshll.u32 s1, $0xD;
	s1 =	sshrl.u32 s1, $0x2  }
0xbb: {  	s3 =	sand.u32 $0x4000, s31;
	s1 =	sadd.s32 s1, s30  }
0xbc: {  	s0 =	sor.u32 s3, s0;
	s1 =	sshll.u32 s1, $0x11  }
0xbd: {  	s0 =	sor.u32 s1, s0  }
0xbe: {  	s0 =	sadd.s32 $0x8F2B, s0  }
0xbf: {  	[sflag:s0] =	ssyncadd.remote.s32 $0x1  }
0xc0: {  	_ =	sfence.sel $0xFFFF  }
0xc1: {  	[dreg:$0x0] =	wrdreg $0xFFFFFFFF;
	(pc) =	sbr.abs _section_cstart, $3  }
0xc2: {  	[dreg:$0x1] =	wrdreg $0xFFFFFFFF  }
0xc3: {  	_ =	task.clear_ibuf [dreg:s8], $0x2FFFF;
	_ =	strace $0x9FFFFFFF  }
0xc4: {  	(tm) =	ssettm $0x7FFFFFFF  }
0xc5: {  	_ =	shalt  }
tec
execute0_lowered:
.L_overlay_start_1:
0x0: {  	(tag) =	ssettag $0x1  }
0x1: {  	s3 =	rddreg [dreg:$0x0]  }
0x2: {  	s2 =	srdreg.scid;
	s0 =	stileid.u32  }
0x3: {  	s4 =	rddreg [dreg:$0x1];
	s5 =	sand.u32 $0x1, s2;
	s6 =	sshll.u32 s0, $0x1  }
0x4: {  	s1 =	rddreg [dreg:$0x2];
	s6 =	sor.u32 s5, s6  }
0x5: {  	s2 =	simm.s32 $0x0;
	s7 =	sshll.u32 s6, $0x10;
	s20 =	sshll.u32 s6, $0x6  }
0x6: {  	[smem:$0x7FF] =	sst s2;
	s19 =	sadd.s32 s7, s3;
	s8 =	sadd.s32 s4, s20  }
0x7: {  	_ =	strace $0x80000047;
	[dreg:$0x4] =	wrdreg s8;
	s9 =	sadd.s32 $0x400, s19  }
0x8: {  	s10 =	sadd.s32 $0xC00, s19;
	[dreg:$0x5] =	wrdreg s9  }
0x9: {  	s11 =	sadd.s32 $0x1400, s19;
	[dreg:$0x6] =	wrdreg s10  }
0xa: {  	s12 =	sadd.s32 $0x1C00, s19;
	[dreg:$0x7] =	wrdreg s11  }
0xb: {  	s28 =	simm.s32 $0x1;
	s13 =	sadd.s32 $0x2400, s19;
	[dreg:$0x8] =	wrdreg s12  }
0xc: {  	s29 =	simm.s32 $0x2;
	s14 =	sadd.s32 $0x2C00, s19;
	[dreg:$0x9] =	wrdreg s13  }
0xd: {  	v0 =	vimm.s32 $0x2380;
	vm0 =	vcmask $0x300;
	s30 =	simm.s32 $0x3;
	s15 =	sadd.s32 $0x3400, s19;
	[dreg:$0xa] =	wrdreg s14  }
0xe: {  	vm14 =	vcmask $0x704;
	s31 =	simm.s32 $0x4;
	v0 =	vsel vm0, $0x0, v0;
	s16 =	sadd.s32 $0x3C00, s19;
	[dreg:$0xb] =	wrdreg s15  }
0xf: {  	vm15 =	vcmask $0xB08;
	v0 =	vsel vm14, $0x80, v0;
	s23 =	ssub.s32 $0x2, s5;
	s17 =	sadd.s32 $0x4400, s19;
	[dreg:$0xc] =	wrdreg s16  }
0x10: {  	vm4 =	vcmask $0xF0C;
	v0 =	vsel vm15, $0x100, v0;
	s5 =	sshrl.u32 s23, $0x1;
	s18 =	sadd.s32 $0x4C00, s19;
	[dreg:$0xd] =	wrdreg s17  }
0x11: {  	vm5 =	vcmask $0x1310;
	v0 =	vsel vm4, $0x180, v0;
	s20 =	sadd.s32 s1, s20;
	s21 =	sadd.s32 $0x5400, s19;
	[dreg:$0xe] =	wrdreg s18  }
0x12: {  	vm6 =	vcmask $0x1714;
	s22 =	sadd.s32 $0x5C00, s19;
	s24 =	sadd.s32 $0x6400, s19;
	v0 =	vsel vm5, $0x200, v0;
	[dreg:$0xf] =	wrdreg s21  }
0x13: {  	vm7 =	vcmask $0x1B18;
	s25 =	sadd.s32 $0x6C00, s19;
	s26 =	sadd.s32 $0x7400, s19;
	[dreg:$0x10] =	wrdreg s22;
	v0 =	vsel vm6, $0x280, v0  }
0x14: {  	vm8 =	vcmask $0x1F1C;
	s3 =	sadd.s32 $0x7C00, s19;
	s4 =	sadd.s32 $0x8400, s19;
	[dreg:$0x11] =	wrdreg s24;
	v0 =	vsel vm7, $0x300, v0  }
0x15: {  	vm9 =	vcmask $0x2320;
	s6 =	sadd.s32 $0x9400, s19;
	s7 =	sadd.s32 $0x9C00, s19;
	[dreg:$0x12] =	wrdreg s25;
	v0 =	vsel vm8, $0x380, v0  }
0x16: {  	vm10 =	vcmask $0x2724;
	s8 =	sadd.s32 $0xA400, s19;
	s21 =	ssub.s32 s23, s5;
	[dreg:$0x13] =	wrdreg s26;
	v0 =	vsel vm9, $0x2000, v0  }
0x17: {  	vm11 =	vcmask $0x2B28;
	s5 =	sadd.s32 $0x8C00, s19;
	s9 =	sadd.s32 $0xAC00, s19;
	s10 =	sadd.s32 $0xB400, s19;
	v0 =	vsel vm10, $0x2080, v0  }
0x18: {  	vm12 =	vcmask $0x2F2C;
	s11 =	sadd.s32 $0xBC00, s19;
	s12 =	sadd.s32 $0xC400, s19;
	s13 =	sadd.s32 $0xCC00, s19;
	v0 =	vsel vm11, $0x2100, v0  }
0x19: {  	vm13 =	vcmask $0x3330;
	s14 =	sadd.s32 $0xD400, s19;
	s15 =	sadd.s32 $0xDC00, s19;
	s16 =	sadd.s32 $0xE400, s19;
	v0 =	vsel vm12, $0x2180, v0  }
0x1a: {  	vm14 =	vcmask $0x3734;
	s17 =	sadd.s32 $0xEC00, s19;
	s18 =	sadd.s32 $0xF400, s19;
	s19 =	sadd.s32 $0xFC00, s19;
	v0 =	vsel vm13, $0x2200, v0  }
0x1b: {  	vm15 =	vcmask $0x3B38;
	s22 =	simm.s32 $0x5;
	s23 =	simm.s32 $0x200;
	s24 =	simm.s32 $0x4200;
	v0 =	vsel vm14, $0x2280, v0  }
0x1c: {  	s25 =	simm.s32 $0x8200;
	s26 =	simm.s32 $0xC200;
	s21 =	smax.u32 s21, $0x1;
	v0 =	vsel vm15, $0x2300, v0  }
.LBB2_1:
0x1d: {  	s0 =	rddreg [dreg:$0x4]  }
0x1e: {  	[tilespmem:s2], [sflag:$0x5] =	stream.linear.gather [hbm4b:s0+s2], $0x200, $0x38;
	[tilespmem:$0x10400] =	vst v63  }
0x1f: {  	_ =	swait.ge [sflag:s22], $0x200  }
0x20: {  	[sflag:s22] =	ssyncset.done $0x0  }
0x21: {  	s0 =	rddreg [dreg:$0x5];
	[sflag:s22] =	ssyncadd.s32 $0xFFFFFE00  }
0x22: {  	[tilespmem:s23], [sflag:$0x1] =	stream.linear.gather [hbm4b:s0+s2], $0x4000, $0x38;
	[tilespmem:$0x10400] =	vst v63  }
0x23: {  	s1 =	rddreg [dreg:$0x6]  }
0x24: {  	[tilespmem:s24], [sflag:$0x2] =	stream.linear.gather [hbm4b:s1+s2], $0x4000, $0x38;
	[tilespmem:$0x10400] =	vst v63  }
0x25: {  	s0 =	rddreg [dreg:$0x7]  }
0x26: {  	[tilespmem:s25], [sflag:$0x3] =	stream.linear.gather [hbm4b:s0+s2], $0x4000, $0x38;
	[tilespmem:$0x10400] =	vst v63  }
0x27: {  	s1 =	rddreg [dreg:$0x8]  }
0x28: {  	[tilespmem:s26], [sflag:$0x4] =	stream.linear.gather [hbm4b:s1+s2], $0x4000, $0x38;
	[tilespmem:$0x10400] =	vst v63  }
0x29: {  	_ =	swait.ge [sflag:s28], $0x4000  }
0x2a: {  	[sflag:s28] =	ssyncset.done $0x0  }
0x2b: {  	[sflag:s28] =	ssyncadd.s32 $0xFFFFC000  }
0x2c: {  	v1 =	vld [tilespmem:$0x0];
	_ =	sdelay $0x4  }
0x2d: {  	v2 =	vshll.u32 v1, $0x3  }
0x2e: {  	v1 =	vand.u32 $0x7F, v1;
	v2 =	vand.u32 $0xFFFFFC00, v2  }
0x2f: {  	v1 =	vor.u32 v1, v2  }
0x30: {  	v1 =	vadd.s32 v0, v1;
	_ =	sdelay $0x4  }
0x31: {  	v1 =	vld.idx.msk [tilespmem:v1+s23+$0x0], $0xffff;
	_ =	sdelay $0x4  }
0x32: {  	s1 =	rddreg [dreg:$0x9];
	[tilespmem:$0x10200] =	vst v1  }
0x33: {  	[tilespmem:s23], [sflag:$0x1] =	stream.linear.gather [hbm4b:s1+s2], $0x4000, $0x38;
	[tilespmem:$0x10400] =	vst v63  }
0x34: {  	_ =	swait.ge [sflag:s29], $0x4000  }
0x35: {  	[sflag:s29] =	ssyncset.done $0x0  }
0x36: {  	[sflag:s29] =	ssyncadd.s32 $0xFFFFC000  }
0x37: {  	v1 =	vld [tilespmem:$0x10];
	_ =	sdelay $0x4  }
0x38: {  	v2 =	vshll.u32 v1, $0x3  }
0x39: {  	v1 =	vand.u32 $0x7F, v1;
	v2 =	vand.u32 $0xFFFFFC00, v2  }
0x3a: {  	v1 =	vor.u32 v1, v2  }
0x3b: {  	v1 =	vadd.s32 v0, v1;
	_ =	sdelay $0x4  }
0x3c: {  	v1 =	vld.idx.msk [tilespmem:v1+s24+$0x0], $0xffff;
	_ =	sdelay $0x4  }
0x3d: {  	s1 =	rddreg [dreg:$0xa];
	[tilespmem:$0x10210] =	vst v1  }
0x3e: {  	[tilespmem:s24], [sflag:$0x2] =	stream.linear.gather [hbm4b:s1+s2], $0x4000, $0x38;
	[tilespmem:$0x10400] =	vst v63  }
0x3f: {  	_ =	swait.ge [sflag:s30], $0x4000  }
0x40: {  	[sflag:s30] =	ssyncset.done $0x0  }
0x41: {  	[sflag:s30] =	ssyncadd.s32 $0xFFFFC000  }
0x42: {  	v1 =	vld [tilespmem:$0x20];
	_ =	sdelay $0x4  }
0x43: {  	v2 =	vshll.u32 v1, $0x3  }
0x44: {  	v1 =	vand.u32 $0x7F, v1;
	v2 =	vand.u32 $0xFFFFFC00, v2  }
0x45: {  	v1 =	vor.u32 v1, v2  }
0x46: {  	v1 =	vadd.s32 v0, v1;
	_ =	sdelay $0x4  }
0x47: {  	v1 =	vld.idx.msk [tilespmem:v1+s25+$0x0], $0xffff;
	_ =	sdelay $0x4  }
0x48: {  	s1 =	rddreg [dreg:$0xb];
	[tilespmem:$0x10220] =	vst v1  }
0x49: {  	[tilespmem:s25], [sflag:$0x3] =	stream.linear.gather [hbm4b:s1+s2], $0x4000, $0x38;
	[tilespmem:$0x10400] =	vst v63  }
0x4a: {  	_ =	swait.ge [sflag:s31], $0x4000  }
0x4b: {  	[sflag:s31] =	ssyncset.done $0x0  }
0x4c: {  	[sflag:s31] =	ssyncadd.s32 $0xFFFFC000  }
0x4d: {  	v1 =	vld [tilespmem:$0x30];
	_ =	sdelay $0x4  }
0x4e: {  	v2 =	vshll.u32 v1, $0x3  }
0x4f: {  	v1 =	vand.u32 $0x7F, v1;
	v2 =	vand.u32 $0xFFFFFC00, v2  }
0x50: {  	v1 =	vor.u32 v1, v2  }
0x51: {  	v1 =	vadd.s32 v0, v1;
	_ =	sdelay $0x4  }
0x52: {  	v1 =	vld.idx.msk [tilespmem:v1+s26+$0x0], $0xffff;
	_ =	sdelay $0x4  }
0x53: {  	s1 =	rddreg [dreg:$0xc];
	[tilespmem:$0x10230] =	vst v1  }
0x54: {  	[tilespmem:s26], [sflag:$0x4] =	stream.linear.gather [hbm4b:s1+s2], $0x4000, $0x38;
	[tilespmem:$0x10400] =	vst v63  }
0x55: {  	_ =	swait.ge [sflag:s28], $0x4000  }
0x56: {  	[sflag:s28] =	ssyncset.done $0x0  }
0x57: {  	[sflag:s28] =	ssyncadd.s32 $0xFFFFC000  }
0x58: {  	v1 =	vld [tilespmem:$0x40];
	_ =	sdelay $0x4  }
0x59: {  	v2 =	vshll.u32 v1, $0x3  }
0x5a: {  	v1 =	vand.u32 $0x7F, v1;
	v2 =	vand.u32 $0xFFFFFC00, v2  }
0x5b: {  	v1 =	vor.u32 v1, v2  }
0x5c: {  	v1 =	vadd.s32 v0, v1;
	_ =	sdelay $0x4  }
0x5d: {  	v1 =	vld.idx.msk [tilespmem:v1+s23+$0x0], $0xffff;
	_ =	sdelay $0x4  }
0x5e: {  	s1 =	rddreg [dreg:$0xd];
	[tilespmem:$0x10240] =	vst v1  }
0x5f: {  	[tilespmem:s23], [sflag:$0x1] =	stream.linear.gather [hbm4b:s1+s2], $0x4000, $0x38;
	[tilespmem:$0x10400] =	vst v63  }
0x60: {  	_ =	swait.ge [sflag:s29], $0x4000  }
0x61: {  	[sflag:s29] =	ssyncset.done $0x0  }
0x62: {  	[sflag:s29] =	ssyncadd.s32 $0xFFFFC000  }
0x63: {  	v1 =	vld [tilespmem:$0x50];
	_ =	sdelay $0x4  }
0x64: {  	v2 =	vshll.u32 v1, $0x3  }
0x65: {  	v1 =	vand.u32 $0x7F, v1;
	v2 =	vand.u32 $0xFFFFFC00, v2  }
0x66: {  	v1 =	vor.u32 v1, v2  }
0x67: {  	v1 =	vadd.s32 v0, v1;
	_ =	sdelay $0x4  }
0x68: {  	v1 =	vld.idx.msk [tilespmem:v1+s24+$0x0], $0xffff;
	_ =	sdelay $0x4  }
0x69: {  	s1 =	rddreg [dreg:$0xe];
	[tilespmem:$0x10250] =	vst v1  }
0x6a: {  	[tilespmem:s24], [sflag:$0x2] =	stream.linear.gather [hbm4b:s1+s2], $0x4000, $0x38;
	[tilespmem:$0x10400] =	vst v63  }
0x6b: {  	_ =	swait.ge [sflag:s30], $0x4000  }
0x6c: {  	[sflag:s30] =	ssyncset.done $0x0  }
0x6d: {  	[sflag:s30] =	ssyncadd.s32 $0xFFFFC000  }
0x6e: {  	v1 =	vld [tilespmem:$0x60];
	_ =	sdelay $0x4  }
0x6f: {  	v2 =	vshll.u32 v1, $0x3  }
0x70: {  	v1 =	vand.u32 $0x7F, v1;
	v2 =	vand.u32 $0xFFFFFC00, v2  }
0x71: {  	v1 =	vor.u32 v1, v2  }
0x72: {  	v1 =	vadd.s32 v0, v1;
	_ =	sdelay $0x4  }
0x73: {  	v1 =	vld.idx.msk [tilespmem:v1+s25+$0x0], $0xffff;
	_ =	sdelay $0x4  }
0x74: {  	s1 =	rddreg [dreg:$0xf];
	[tilespmem:$0x10260] =	vst v1  }
0x75: {  	[tilespmem:s25], [sflag:$0x3] =	stream.linear.gather [hbm4b:s1+s2], $0x4000, $0x38;
	[tilespmem:$0x10400] =	vst v63  }
0x76: {  	_ =	swait.ge [sflag:s31], $0x4000  }
0x77: {  	[sflag:s31] =	ssyncset.done $0x0  }
0x78: {  	[sflag:s31] =	ssyncadd.s32 $0xFFFFC000  }
0x79: {  	v1 =	vld [tilespmem:$0x70];
	_ =	sdelay $0x4  }
0x7a: {  	v2 =	vshll.u32 v1, $0x3  }
0x7b: {  	v1 =	vand.u32 $0x7F, v1;
	v2 =	vand.u32 $0xFFFFFC00, v2  }
0x7c: {  	v1 =	vor.u32 v1, v2  }
0x7d: {  	v1 =	vadd.s32 v0, v1;
	_ =	sdelay $0x4  }
0x7e: {  	v1 =	vld.idx.msk [tilespmem:v1+s26+$0x0], $0xffff;
	_ =	sdelay $0x4  }
0x7f: {  	s1 =	rddreg [dreg:$0x10];
	[tilespmem:$0x10270] =	vst v1  }
0x80: {  	[tilespmem:s26], [sflag:$0x4] =	stream.linear.gather [hbm4b:s1+s2], $0x4000, $0x38;
	[tilespmem:$0x10400] =	vst v63  }
0x81: {  	_ =	swait.ge [sflag:s28], $0x4000  }
0x82: {  	[sflag:s28] =	ssyncset.done $0x0  }
0x83: {  	[sflag:s28] =	ssyncadd.s32 $0xFFFFC000  }
0x84: {  	v1 =	vld [tilespmem:$0x80];
	_ =	sdelay $0x4  }
0x85: {  	v2 =	vshll.u32 v1, $0x3  }
0x86: {  	v1 =	vand.u32 $0x7F, v1;
	v2 =	vand.u32 $0xFFFFFC00, v2  }
0x87: {  	v1 =	vor.u32 v1, v2  }
0x88: {  	v1 =	vadd.s32 v0, v1;
	_ =	sdelay $0x4  }
0x89: {  	v1 =	vld.idx.msk [tilespmem:v1+s23+$0x0], $0xffff;
	_ =	sdelay $0x4  }
0x8a: {  	s1 =	rddreg [dreg:$0x11];
	[tilespmem:$0x10280] =	vst v1  }
0x8b: {  	[tilespmem:s23], [sflag:$0x1] =	stream.linear.gather [hbm4b:s1+s2], $0x4000, $0x38;
	[tilespmem:$0x10400] =	vst v63  }
0x8c: {  	_ =	swait.ge [sflag:s29], $0x4000  }
0x8d: {  	[sflag:s29] =	ssyncset.done $0x0  }
0x8e: {  	[sflag:s29] =	ssyncadd.s32 $0xFFFFC000  }
0x8f: {  	v1 =	vld [tilespmem:$0x90];
	_ =	sdelay $0x4  }
0x90: {  	v2 =	vshll.u32 v1, $0x3  }
0x91: {  	v1 =	vand.u32 $0x7F, v1;
	v2 =	vand.u32 $0xFFFFFC00, v2  }
0x92: {  	v1 =	vor.u32 v1, v2  }
0x93: {  	v1 =	vadd.s32 v0, v1;
	_ =	sdelay $0x4  }
0x94: {  	v1 =	vld.idx.msk [tilespmem:v1+s24+$0x0], $0xffff;
	_ =	sdelay $0x4  }
0x95: {  	s1 =	rddreg [dreg:$0x12];
	[tilespmem:$0x10290] =	vst v1  }
0x96: {  	[tilespmem:s24], [sflag:$0x2] =	stream.linear.gather [hbm4b:s1+s2], $0x4000, $0x38;
	[tilespmem:$0x10400] =	vst v63  }
0x97: {  	_ =	swait.ge [sflag:s30], $0x4000  }
0x98: {  	[sflag:s30] =	ssyncset.done $0x0  }
0x99: {  	[sflag:s30] =	ssyncadd.s32 $0xFFFFC000  }
0x9a: {  	v1 =	vld [tilespmem:$0xA0];
	_ =	sdelay $0x4  }
0x9b: {  	v2 =	vshll.u32 v1, $0x3  }
0x9c: {  	v1 =	vand.u32 $0x7F, v1;
	v2 =	vand.u32 $0xFFFFFC00, v2  }
0x9d: {  	v1 =	vor.u32 v1, v2  }
0x9e: {  	v1 =	vadd.s32 v0, v1;
	_ =	sdelay $0x4  }
0x9f: {  	v1 =	vld.idx.msk [tilespmem:v1+s25+$0x0], $0xffff;
	_ =	sdelay $0x4  }
0xa0: {  	s1 =	rddreg [dreg:$0x13];
	[tilespmem:$0x102A0] =	vst v1  }
0xa1: {  	[tilespmem:s25], [sflag:$0x3] =	stream.linear.gather [hbm4b:s1+s2], $0x4000, $0x38;
	[tilespmem:$0x10400] =	vst v63  }
0xa2: {  	_ =	swait.ge [sflag:s31], $0x4000  }
0xa3: {  	[sflag:s31] =	ssyncset.done $0x0  }
0xa4: {  	[sflag:s31] =	ssyncadd.s32 $0xFFFFC000  }
0xa5: {  	v1 =	vld [tilespmem:$0xB0];
	_ =	sdelay $0x4  }
0xa6: {  	v2 =	vshll.u32 v1, $0x3  }
0xa7: {  	v1 =	vand.u32 $0x7F, v1;
	v2 =	vand.u32 $0xFFFFFC00, v2  }
0xa8: {  	v1 =	vor.u32 v1, v2  }
0xa9: {  	v1 =	vadd.s32 v0, v1;
	_ =	sdelay $0x4  }
0xaa: {  	v1 =	vld.idx.msk [tilespmem:v1+s26+$0x0], $0xffff;
	_ =	sdelay $0x4  }
0xab: {  	[tilespmem:$0x102B0] =	vst v1  }
0xac: {  	[tilespmem:s26], [sflag:$0x4] =	stream.linear.gather [hbm4b:s3+s2], $0x4000, $0x38;
	[tilespmem:$0x10400] =	vst v63  }
0xad: {  	_ =	swait.ge [sflag:s28], $0x4000  }
0xae: {  	[sflag:s28] =	ssyncset.done $0x0  }
0xaf: {  	[sflag:s28] =	ssyncadd.s32 $0xFFFFC000  }
0xb0: {  	v1 =	vld [tilespmem:$0xC0];
	_ =	sdelay $0x4  }
0xb1: {  	v2 =	vshll.u32 v1, $0x3  }
0xb2: {  	v1 =	vand.u32 $0x7F, v1;
	v2 =	vand.u32 $0xFFFFFC00, v2  }
0xb3: {  	v1 =	vor.u32 v1, v2  }
0xb4: {  	v1 =	vadd.s32 v0, v1;
	_ =	sdelay $0x4  }
0xb5: {  	v1 =	vld.idx.msk [tilespmem:v1+s23+$0x0], $0xffff;
	_ =	sdelay $0x4  }
0xb6: {  	[tilespmem:$0x102C0] =	vst v1  }
0xb7: {  	[tilespmem:s23], [sflag:$0x1] =	stream.linear.gather [hbm4b:s4+s2], $0x4000, $0x38;
	[tilespmem:$0x10400] =	vst v63  }
0xb8: {  	_ =	swait.ge [sflag:s29], $0x4000  }
0xb9: {  	[sflag:s29] =	ssyncset.done $0x0  }
0xba: {  	[sflag:s29] =	ssyncadd.s32 $0xFFFFC000  }
0xbb: {  	v1 =	vld [tilespmem:$0xD0];
	_ =	sdelay $0x4  }
0xbc: {  	v2 =	vshll.u32 v1, $0x3  }
0xbd: {  	v1 =	vand.u32 $0x7F, v1;
	v2 =	vand.u32 $0xFFFFFC00, v2  }
0xbe: {  	v1 =	vor.u32 v1, v2  }
0xbf: {  	v1 =	vadd.s32 v0, v1;
	_ =	sdelay $0x4  }
0xc0: {  	v1 =	vld.idx.msk [tilespmem:v1+s24+$0x0], $0xffff;
	_ =	sdelay $0x4  }
0xc1: {  	[tilespmem:$0x102D0] =	vst v1  }
0xc2: {  	[tilespmem:s24], [sflag:$0x2] =	stream.linear.gather [hbm4b:s5+s2], $0x4000, $0x38;
	[tilespmem:$0x10400] =	vst v63  }
0xc3: {  	_ =	swait.ge [sflag:s30], $0x4000  }
0xc4: {  	[sflag:s30] =	ssyncset.done $0x0  }
0xc5: {  	[sflag:s30] =	ssyncadd.s32 $0xFFFFC000  }
0xc6: {  	v1 =	vld [tilespmem:$0xE0];
	_ =	sdelay $0x4  }
0xc7: {  	v2 =	vshll.u32 v1, $0x3  }
0xc8: {  	v1 =	vand.u32 $0x7F, v1;
	v2 =	vand.u32 $0xFFFFFC00, v2  }
0xc9: {  	v1 =	vor.u32 v1, v2  }
0xca: {  	v1 =	vadd.s32 v0, v1;
	_ =	sdelay $0x4  }
0xcb: {  	v1 =	vld.idx.msk [tilespmem:v1+s25+$0x0], $0xffff;
	_ =	sdelay $0x4  }
0xcc: {  	[tilespmem:$0x102E0] =	vst v1  }
0xcd: {  	[tilespmem:s25], [sflag:$0x3] =	stream.linear.gather [hbm4b:s6+s2], $0x4000, $0x38;
	[tilespmem:$0x10400] =	vst v63  }
0xce: {  	_ =	swait.ge [sflag:s31], $0x4000  }
0xcf: {  	[sflag:s31] =	ssyncset.done $0x0  }
0xd0: {  	[sflag:s31] =	ssyncadd.s32 $0xFFFFC000  }
0xd1: {  	v1 =	vld [tilespmem:$0xF0];
	_ =	sdelay $0x4  }
0xd2: {  	v2 =	vshll.u32 v1, $0x3  }
0xd3: {  	v1 =	vand.u32 $0x7F, v1;
	v2 =	vand.u32 $0xFFFFFC00, v2  }
0xd4: {  	v1 =	vor.u32 v1, v2  }
0xd5: {  	v1 =	vadd.s32 v0, v1;
	_ =	sdelay $0x4  }
0xd6: {  	v1 =	vld.idx.msk [tilespmem:v1+s26+$0x0], $0xffff;
	_ =	sdelay $0x4  }
0xd7: {  	[tilespmem:$0x102F0] =	vst v1  }
0xd8: {  	[tilespmem:s26], [sflag:$0x4] =	stream.linear.gather [hbm4b:s7+s2], $0x4000, $0x38;
	[tilespmem:$0x10400] =	vst v63  }
0xd9: {  	_ =	swait.ge [sflag:s28], $0x4000  }
0xda: {  	[sflag:s28] =	ssyncset.done $0x0  }
0xdb: {  	[sflag:s28] =	ssyncadd.s32 $0xFFFFC000  }
0xdc: {  	v1 =	vld [tilespmem:$0x100];
	_ =	sdelay $0x4  }
0xdd: {  	v2 =	vshll.u32 v1, $0x3  }
0xde: {  	v1 =	vand.u32 $0x7F, v1;
	v2 =	vand.u32 $0xFFFFFC00, v2  }
0xdf: {  	v1 =	vor.u32 v1, v2  }
0xe0: {  	v1 =	vadd.s32 v0, v1;
	_ =	sdelay $0x4  }
0xe1: {  	v1 =	vld.idx.msk [tilespmem:v1+s23+$0x0], $0xffff;
	_ =	sdelay $0x4  }
0xe2: {  	[tilespmem:$0x10300] =	vst v1  }
0xe3: {  	[tilespmem:s23], [sflag:$0x1] =	stream.linear.gather [hbm4b:s8+s2], $0x4000, $0x38;
	[tilespmem:$0x10400] =	vst v63  }
0xe4: {  	_ =	swait.ge [sflag:s29], $0x4000  }
0xe5: {  	[sflag:s29] =	ssyncset.done $0x0  }
0xe6: {  	[sflag:s29] =	ssyncadd.s32 $0xFFFFC000  }
0xe7: {  	v1 =	vld [tilespmem:$0x110];
	_ =	sdelay $0x4  }
0xe8: {  	v2 =	vshll.u32 v1, $0x3  }
0xe9: {  	v1 =	vand.u32 $0x7F, v1;
	v2 =	vand.u32 $0xFFFFFC00, v2  }
0xea: {  	v1 =	vor.u32 v1, v2  }
0xeb: {  	v1 =	vadd.s32 v0, v1;
	_ =	sdelay $0x4  }
0xec: {  	v1 =	vld.idx.msk [tilespmem:v1+s24+$0x0], $0xffff;
	_ =	sdelay $0x4  }
0xed: {  	[tilespmem:$0x10310] =	vst v1  }
0xee: {  	[tilespmem:s24], [sflag:$0x2] =	stream.linear.gather [hbm4b:s9+s2], $0x4000, $0x38;
	[tilespmem:$0x10400] =	vst v63  }
0xef: {  	_ =	swait.ge [sflag:s30], $0x4000  }
0xf0: {  	[sflag:s30] =	ssyncset.done $0x0  }
0xf1: {  	[sflag:s30] =	ssyncadd.s32 $0xFFFFC000  }
0xf2: {  	v1 =	vld [tilespmem:$0x120];
	_ =	sdelay $0x4  }
0xf3: {  	v2 =	vshll.u32 v1, $0x3  }
0xf4: {  	v1 =	vand.u32 $0x7F, v1;
	v2 =	vand.u32 $0xFFFFFC00, v2  }
0xf5: {  	v1 =	vor.u32 v1, v2  }
0xf6: {  	v1 =	vadd.s32 v0, v1;
	_ =	sdelay $0x4  }
0xf7: {  	v1 =	vld.idx.msk [tilespmem:v1+s25+$0x0], $0xffff;
	_ =	sdelay $0x4  }
0xf8: {  	[tilespmem:$0x10320] =	vst v1  }
0xf9: {  	[tilespmem:s25], [sflag:$0x3] =	stream.linear.gather [hbm4b:s10+s2], $0x4000, $0x38;
	[tilespmem:$0x10400] =	vst v63  }
0xfa: {  	_ =	swait.ge [sflag:s31], $0x4000  }
0xfb: {  	[sflag:s31] =	ssyncset.done $0x0  }
0xfc: {  	[sflag:s31] =	ssyncadd.s32 $0xFFFFC000  }
0xfd: {  	v1 =	vld [tilespmem:$0x130];
	_ =	sdelay $0x4  }
0xfe: {  	v2 =	vshll.u32 v1, $0x3  }
0xff: {  	v1 =	vand.u32 $0x7F, v1;
	v2 =	vand.u32 $0xFFFFFC00, v2  }
0x100: {  	v1 =	vor.u32 v1, v2  }
0x101: {  	v1 =	vadd.s32 v0, v1;
	_ =	sdelay $0x4  }
0x102: {  	v1 =	vld.idx.msk [tilespmem:v1+s26+$0x0], $0xffff;
	_ =	sdelay $0x4  }
0x103: {  	[tilespmem:$0x10330] =	vst v1  }
0x104: {  	[tilespmem:s26], [sflag:$0x4] =	stream.linear.gather [hbm4b:s11+s2], $0x4000, $0x38;
	[tilespmem:$0x10400] =	vst v63  }
0x105: {  	_ =	swait.ge [sflag:s28], $0x4000  }
0x106: {  	[sflag:s28] =	ssyncset.done $0x0  }
0x107: {  	[sflag:s28] =	ssyncadd.s32 $0xFFFFC000  }
0x108: {  	v1 =	vld [tilespmem:$0x140];
	_ =	sdelay $0x4  }
0x109: {  	v2 =	vshll.u32 v1, $0x3  }
0x10a: {  	v1 =	vand.u32 $0x7F, v1;
	v2 =	vand.u32 $0xFFFFFC00, v2  }
0x10b: {  	v1 =	vor.u32 v1, v2  }
0x10c: {  	v1 =	vadd.s32 v0, v1;
	_ =	sdelay $0x4  }
0x10d: {  	v1 =	vld.idx.msk [tilespmem:v1+s23+$0x0], $0xffff;
	_ =	sdelay $0x4  }
0x10e: {  	[tilespmem:$0x10340] =	vst v1  }
0x10f: {  	[tilespmem:s23], [sflag:$0x1] =	stream.linear.gather [hbm4b:s12+s2], $0x4000, $0x38;
	[tilespmem:$0x10400] =	vst v63  }
0x110: {  	_ =	swait.ge [sflag:s29], $0x4000  }
0x111: {  	[sflag:s29] =	ssyncset.done $0x0  }
0x112: {  	[sflag:s29] =	ssyncadd.s32 $0xFFFFC000  }
0x113: {  	v1 =	vld [tilespmem:$0x150];
	_ =	sdelay $0x4  }
0x114: {  	v2 =	vshll.u32 v1, $0x3  }
0x115: {  	v1 =	vand.u32 $0x7F, v1;
	v2 =	vand.u32 $0xFFFFFC00, v2  }
0x116: {  	v1 =	vor.u32 v1, v2  }
0x117: {  	v1 =	vadd.s32 v0, v1;
	_ =	sdelay $0x4  }
0x118: {  	v1 =	vld.idx.msk [tilespmem:v1+s24+$0x0], $0xffff;
	_ =	sdelay $0x4  }
0x119: {  	[tilespmem:$0x10350] =	vst v1  }
0x11a: {  	[tilespmem:s24], [sflag:$0x2] =	stream.linear.gather [hbm4b:s13+s2], $0x4000, $0x38;
	[tilespmem:$0x10400] =	vst v63  }
0x11b: {  	_ =	swait.ge [sflag:s30], $0x4000  }
0x11c: {  	[sflag:s30] =	ssyncset.done $0x0  }
0x11d: {  	[sflag:s30] =	ssyncadd.s32 $0xFFFFC000  }
0x11e: {  	v1 =	vld [tilespmem:$0x160];
	_ =	sdelay $0x4  }
0x11f: {  	v2 =	vshll.u32 v1, $0x3  }
0x120: {  	v1 =	vand.u32 $0x7F, v1;
	v2 =	vand.u32 $0xFFFFFC00, v2  }
0x121: {  	v1 =	vor.u32 v1, v2  }
0x122: {  	v1 =	vadd.s32 v0, v1;
	_ =	sdelay $0x4  }
0x123: {  	v1 =	vld.idx.msk [tilespmem:v1+s25+$0x0], $0xffff;
	_ =	sdelay $0x4  }
0x124: {  	[tilespmem:$0x10360] =	vst v1  }
0x125: {  	[tilespmem:s25], [sflag:$0x3] =	stream.linear.gather [hbm4b:s14+s2], $0x4000, $0x38;
	[tilespmem:$0x10400] =	vst v63  }
0x126: {  	_ =	swait.ge [sflag:s31], $0x4000  }
0x127: {  	[sflag:s31] =	ssyncset.done $0x0  }
0x128: {  	[sflag:s31] =	ssyncadd.s32 $0xFFFFC000  }
0x129: {  	v1 =	vld [tilespmem:$0x170];
	_ =	sdelay $0x4  }
0x12a: {  	v2 =	vshll.u32 v1, $0x3  }
0x12b: {  	v1 =	vand.u32 $0x7F, v1;
	v2 =	vand.u32 $0xFFFFFC00, v2  }
0x12c: {  	v1 =	vor.u32 v1, v2  }
0x12d: {  	v1 =	vadd.s32 v0, v1;
	_ =	sdelay $0x4  }
0x12e: {  	v1 =	vld.idx.msk [tilespmem:v1+s26+$0x0], $0xffff;
	_ =	sdelay $0x4  }
0x12f: {  	[tilespmem:$0x10370] =	vst v1  }
0x130: {  	[tilespmem:s26], [sflag:$0x4] =	stream.linear.gather [hbm4b:s15+s2], $0x4000, $0x38;
	[tilespmem:$0x10400] =	vst v63  }
0x131: {  	_ =	swait.ge [sflag:s28], $0x4000  }
0x132: {  	[sflag:s28] =	ssyncset.done $0x0  }
0x133: {  	[sflag:s28] =	ssyncadd.s32 $0xFFFFC000  }
0x134: {  	v1 =	vld [tilespmem:$0x180];
	_ =	sdelay $0x4  }
0x135: {  	v2 =	vshll.u32 v1, $0x3  }
0x136: {  	v1 =	vand.u32 $0x7F, v1;
	v2 =	vand.u32 $0xFFFFFC00, v2  }
0x137: {  	v1 =	vor.u32 v1, v2  }
0x138: {  	v1 =	vadd.s32 v0, v1;
	_ =	sdelay $0x4  }
0x139: {  	v1 =	vld.idx.msk [tilespmem:v1+s23+$0x0], $0xffff;
	_ =	sdelay $0x4  }
0x13a: {  	[tilespmem:$0x10380] =	vst v1  }
0x13b: {  	[tilespmem:s23], [sflag:$0x1] =	stream.linear.gather [hbm4b:s16+s2], $0x4000, $0x38;
	[tilespmem:$0x10400] =	vst v63  }
0x13c: {  	_ =	swait.ge [sflag:s29], $0x4000  }
0x13d: {  	[sflag:s29] =	ssyncset.done $0x0  }
0x13e: {  	[sflag:s29] =	ssyncadd.s32 $0xFFFFC000  }
0x13f: {  	v1 =	vld [tilespmem:$0x190];
	_ =	sdelay $0x4  }
0x140: {  	v2 =	vshll.u32 v1, $0x3  }
0x141: {  	v1 =	vand.u32 $0x7F, v1;
	v2 =	vand.u32 $0xFFFFFC00, v2  }
0x142: {  	v1 =	vor.u32 v1, v2  }
0x143: {  	v1 =	vadd.s32 v0, v1;
	_ =	sdelay $0x4  }
0x144: {  	v1 =	vld.idx.msk [tilespmem:v1+s24+$0x0], $0xffff;
	_ =	sdelay $0x4  }
0x145: {  	[tilespmem:$0x10390] =	vst v1  }
0x146: {  	[tilespmem:s24], [sflag:$0x2] =	stream.linear.gather [hbm4b:s17+s2], $0x4000, $0x38;
	[tilespmem:$0x10400] =	vst v63  }
0x147: {  	_ =	swait.ge [sflag:s30], $0x4000  }
0x148: {  	[sflag:s30] =	ssyncset.done $0x0  }
0x149: {  	[sflag:s30] =	ssyncadd.s32 $0xFFFFC000  }
0x14a: {  	v1 =	vld [tilespmem:$0x1A0];
	_ =	sdelay $0x4  }
0x14b: {  	v2 =	vshll.u32 v1, $0x3  }
0x14c: {  	v1 =	vand.u32 $0x7F, v1;
	v2 =	vand.u32 $0xFFFFFC00, v2  }
0x14d: {  	v1 =	vor.u32 v1, v2  }
0x14e: {  	v1 =	vadd.s32 v0, v1;
	_ =	sdelay $0x4  }
0x14f: {  	v1 =	vld.idx.msk [tilespmem:v1+s25+$0x0], $0xffff;
	_ =	sdelay $0x4  }
0x150: {  	[tilespmem:$0x103A0] =	vst v1  }
0x151: {  	[tilespmem:s25], [sflag:$0x3] =	stream.linear.gather [hbm4b:s18+s2], $0x4000, $0x38;
	[tilespmem:$0x10400] =	vst v63  }
0x152: {  	_ =	swait.ge [sflag:s31], $0x4000  }
0x153: {  	[sflag:s31] =	ssyncset.done $0x0  }
0x154: {  	[sflag:s31] =	ssyncadd.s32 $0xFFFFC000  }
0x155: {  	v1 =	vld [tilespmem:$0x1B0];
	_ =	sdelay $0x4  }
0x156: {  	v2 =	vshll.u32 v1, $0x3  }
0x157: {  	v1 =	vand.u32 $0x7F, v1;
	v2 =	vand.u32 $0xFFFFFC00, v2  }
0x158: {  	v1 =	vor.u32 v1, v2  }
0x159: {  	v1 =	vadd.s32 v0, v1;
	_ =	sdelay $0x4  }
0x15a: {  	v1 =	vld.idx.msk [tilespmem:v1+s26+$0x0], $0xffff;
	_ =	sdelay $0x4  }
0x15b: {  	[tilespmem:$0x103B0] =	vst v1  }
0x15c: {  	[tilespmem:s26], [sflag:$0x4] =	stream.linear.gather [hbm4b:s19+s2], $0x4000, $0x38;
	[tilespmem:$0x10400] =	vst v63  }
0x15d: {  	_ =	swait.ge [sflag:s28], $0x4000  }
0x15e: {  	[sflag:s28] =	ssyncset.done $0x0  }
0x15f: {  	[sflag:s28] =	ssyncadd.s32 $0xFFFFC000  }
0x160: {  	v1 =	vld [tilespmem:$0x1C0];
	_ =	sdelay $0x4  }
0x161: {  	v2 =	vshll.u32 v1, $0x3  }
0x162: {  	v1 =	vand.u32 $0x7F, v1;
	v2 =	vand.u32 $0xFFFFFC00, v2  }
0x163: {  	v1 =	vor.u32 v1, v2  }
0x164: {  	v1 =	vadd.s32 v0, v1;
	_ =	sdelay $0x4  }
0x165: {  	v1 =	vld.idx.msk [tilespmem:v1+s23+$0x0], $0xffff;
	_ =	sdelay $0x4  }
0x166: {  	[tilespmem:$0x103C0] =	vst v1  }
0x167: {  	_ =	swait.ge [sflag:s29], $0x4000  }
0x168: {  	[sflag:s29] =	ssyncset.done $0x0  }
0x169: {  	[sflag:s29] =	ssyncadd.s32 $0xFFFFC000  }
0x16a: {  	v1 =	vld [tilespmem:$0x1D0];
	_ =	sdelay $0x4  }
0x16b: {  	v2 =	vshll.u32 v1, $0x3  }
0x16c: {  	v1 =	vand.u32 $0x7F, v1;
	v2 =	vand.u32 $0xFFFFFC00, v2  }
0x16d: {  	v1 =	vor.u32 v1, v2  }
0x16e: {  	v1 =	vadd.s32 v0, v1;
	_ =	sdelay $0x4  }
0x16f: {  	v1 =	vld.idx.msk [tilespmem:v1+s24+$0x0], $0xffff;
	_ =	sdelay $0x4  }
0x170: {  	[tilespmem:$0x103D0] =	vst v1  }
0x171: {  	_ =	swait.ge [sflag:s30], $0x4000  }
0x172: {  	[sflag:s30] =	ssyncset.done $0x0  }
0x173: {  	[sflag:s30] =	ssyncadd.s32 $0xFFFFC000  }
0x174: {  	v1 =	vld [tilespmem:$0x1E0];
	_ =	sdelay $0x4  }
0x175: {  	v2 =	vshll.u32 v1, $0x3  }
0x176: {  	v1 =	vand.u32 $0x7F, v1;
	v2 =	vand.u32 $0xFFFFFC00, v2  }
0x177: {  	v1 =	vor.u32 v1, v2  }
0x178: {  	v1 =	vadd.s32 v0, v1;
	_ =	sdelay $0x4  }
0x179: {  	v1 =	vld.idx.msk [tilespmem:v1+s25+$0x0], $0xffff;
	_ =	sdelay $0x4  }
0x17a: {  	[tilespmem:$0x103E0] =	vst v1  }
0x17b: {  	_ =	swait.ge [sflag:s31], $0x4000  }
0x17c: {  	[sflag:s31] =	ssyncset.done $0x0  }
0x17d: {  	[sflag:s31] =	ssyncadd.s32 $0xFFFFC000  }
0x17e: {  	v1 =	vld [tilespmem:$0x1F0];
	_ =	sdelay $0x4  }
0x17f: {  	v2 =	vshll.u32 v1, $0x3  }
0x180: {  	v1 =	vand.u32 $0x7F, v1;
	v2 =	vand.u32 $0xFFFFFC00, v2  }
0x181: {  	v1 =	vor.u32 v1, v2  }
0x182: {  	v1 =	vadd.s32 v0, v1;
	_ =	sdelay $0x4  }
0x183: {  	v1 =	vld.idx.msk [tilespmem:v1+s26+$0x0], $0xffff;
	_ =	sdelay $0x3  }
0x184: {  	p0 =	sne.s32 s21, $0x1  }
.Ltmp0:
0x185: {  	s1 =	simm.s32 $0x10200;
	[tilespmem:$0x103F0] =	vst v1;
	(pc) =	sbr.rel @p0 .LBB2_1-.Ltmp0, $4  }
0x186: {  	[hbm4b:s20+s2] =	stream.linear.scatter [tilespmem:s1], [sflag:$0x5], $0x200, $0x38;
	[tilespmem:$0x10400] =	vst v63  }
0x187: {  	_ =	swait.ge [sflag:s22], $0x200  }
0x188: {  	[sflag:s22] =	ssyncset.done $0x0  }
0x189: {  	s21 =	sadd.s32 $0xFFFFFFFF, s21;
	[sflag:s22] =	ssyncadd.s32 $0xFFFFFE00  }
0x18a: {  	_ =	sfence.sel $0x180000  }
0x18b: {  	[bflag:$0x0] =	sbarrier.arrive $0xFFFF  }
0x18c: {  	_ =	strace $0x90000047  }
0x18d: {  	s0 =	stileid.u32;
	[bflag:$0x2] =	sbarrier.arrive $0xFFFF  }
0x18e: {  	p0 =	sne.s32 s0, $0x0;
	s0 =	rddreg [dreg:$0x3]  }
0x18f: {  	s0 =	sadd.s32 @!p0 $0x100000, s0  }
0x190: {  	[sflag:s0] =	ssyncadd.tile.s32 @!p0 $0x1;
	_ =	shalt  }
.Lfunc_end2:
_tile_overlayer_lowered:
.L_overlay_start_2:
0x191: {  	(tag) =	ssettag $0x2  }
0x192: {  	s0 =	rddreg [dreg:$0x0];
	s2 =	stileid.u32  }
0x193: {  	s1 =	rddreg [dreg:$0x1];
	p0 =	sne.s32 s2, $0x0  }
0x194: {  	s3 =	rddreg [dreg:$0x2];
	[bflag:$0x3] =	sbarrier.arrive $0xFFFF;
	s2 =	simm.s32 @!p0 $0x1C05  }
0x195: {  	[timem:s3], [sflag:s2] =	dma.local @!p0 [hbm:s0], s1  }
0x196: {  	s0 =	simm.s32 @!p0 $0x5  }
0x197: {  	_ =	swait.ge @!p0 [sflag:s0], s1  }
0x198: {  	s1 =	ssub.s32 @!p0 $0x0, s1;
	[sflag:s0] =	ssyncset.done @!p0 $0x0  }
0x199: {  	[sflag:s0] =	ssyncadd.s32 @!p0 s1  }
0x19a: {  	[bflag:$0x3] =	sbarrier.arrive $0xFFFF  }
0x19b: {  	_ =	shalt  }

</sc_bundles>
